<compile_context>
chip_gen: v7x
topology: tpu7x:2x2x1
jax: 0.10.2.dev20260603
libtpu: 0.0.44.dev20260713+nightly
codegen_flags: <defaults>
</compile_context>

<pallas_src>
import functools

import jax
import jax.numpy as jnp
from jax import lax
from jax.experimental import pallas as pl
from jax.experimental.pallas import tpu as pltpu, tpu_sc as plsc

B = 16384
F = 26
D = 32
NC = 2
NS = 16
NW = NC * NS
L = 16

ROWS = B * F
RPW = ROWS // NW
PAT = 208
GROUPS = RPW // PAT
C = 832
NCH = RPW // C


def _body(idx_hbm, pat_hbm, table_hbm, out_hbm,
          idx_v, pat_v, buf0, buf1, gsem, ssem):
    wid = lax.axis_index("s") * NC + lax.axis_index("c")
    base = wid * RPW

    pltpu.sync_copy(idx_hbm.at[pl.ds(base, RPW)], idx_v)
    pltpu.sync_copy(pat_hbm, pat_v)

    pat_regs = [pat_v[pl.ds(j * L, L)] for j in range(PAT // L)]

    def add_group(g, carry):
        s0 = g * PAT
        for j in range(PAT // L):
            sl = pl.ds(s0 + j * L, L)
            idx_v[sl] = idx_v[sl] + pat_regs[j]
        return carry

    lax.fori_loop(0, GROUPS, add_group, 0)

    bufs = [buf0, buf1]
    for k in range(NCH):
        buf = bufs[k % 2]
        pltpu.async_copy(
            table_hbm.at[idx_v.at[pl.ds(k * C, C)]], buf, gsem
        ).wait()
        pltpu.sync_copy(buf, out_hbm.at[pl.ds(base + k * C, C)])


@jax.jit
def _run(idx_flat, pat, table):
    mesh = plsc.VectorSubcoreMesh(core_axis_name="c", subcore_axis_name="s")
    return pl.kernel(
        _body,
        out_type=jax.ShapeDtypeStruct((ROWS, D), jnp.float32),
        mesh=mesh,
        scratch_types=[
            pltpu.VMEM((RPW,), jnp.int32),
            pltpu.VMEM((PAT,), jnp.int32),
            pltpu.VMEM((C, D), jnp.float32),
            pltpu.VMEM((C, D), jnp.float32),
            pltpu.SemaphoreType.DMA,
            pltpu.SemaphoreType.DMA,
        ],
        compiler_params=pltpu.CompilerParams(use_tc_tiling_on_sc=False),
    )(idx_flat, pat, table)


def kernel(sparse_indices, offsets, embed_table):
    idx_flat = sparse_indices.reshape(ROWS)
    pat = jnp.tile(offsets.reshape(F), L // 2)
    out = _run(idx_flat, pat, embed_table)
    return out.reshape(B, F, D)

# --- scband reference (transcript-rebuilt; emitter-appended) ---
"""Pipeline reference for scband-dlrm-1683627180423 (READ-ONLY COPY).

The authoritative reference and input builder live on the scoring server;
editing this copy changes nothing except your own understanding.
"""

import jax, jax.numpy as jnp
import numpy as np

NUM_EMB_PER_FEATURE = [100000] * 26
EMBED_DIM = 32
BATCH = 16384
N_FIELDS = 26

def setup_inputs(seed: int = 0) -> dict:
    key = jax.random.key(seed)
    k1, k2 = jax.random.split(key)
    # per-feature local indices, valid range [0, vocab_f)
    sparse_indices = jax.random.randint(k1, (BATCH, N_FIELDS), 0, 100000, dtype=jnp.int32)
    # offsets buffer: cumulative start row of each feature's sub-table
    offsets_np = np.concatenate([[0], np.cumsum(NUM_EMB_PER_FEATURE)[:-1]]).astype(np.int32)
    offsets = jnp.asarray(offsets_np)[None, :]  # [1, F]
    # fused embedding table over all features: [sum(vocab), D]
    embed_table = jax.random.normal(k2, (int(sum(NUM_EMB_PER_FEATURE)), EMBED_DIM), dtype=jnp.float32) * 0.01
    return {"sparse_indices": sparse_indices, "offsets": offsets, "embed_table": embed_table}

def reference(sparse_indices, offsets, embed_table):
    # reshape_sparse_features produces [B, F] index matrix; here sparse_indices already [B, F]
    x = sparse_indices + offsets  # shift per-feature local ids into the fused table's row space
    embedding = jnp.take(embed_table, x, axis=0)  # [B, F, D] gather
    return embedding

if __name__ == "__main__":
    import jax
    _d = setup_inputs()
    print(jax.jit(kernel)(*tuple(_d.values())))

</pallas_src>

<mosaic_0001>
#map = affine_map<(d0, d1) -> (0)>
#map1 = affine_map<(d0, d1) -> (0, 0)>
module attributes {stable_mosaic.version = 14 : i64} {
  func.func @_body(%arg0: i32, %arg1: i32, %arg2: memref<425984xi32, #tpu.memory_space<hbm>>, %arg3: memref<208xi32, #tpu.memory_space<hbm>>, %arg4: memref<2600000x32xf32, #tpu.memory_space<hbm>>, %arg5: memref<425984x32xf32, #tpu.memory_space<hbm>>, %arg6: memref<13312xi32, #tpu.memory_space<vmem>>, %arg7: memref<208xi32, #tpu.memory_space<vmem>>, %arg8: memref<832x32xf32, #tpu.memory_space<vmem>>, %arg9: memref<832x32xf32, #tpu.memory_space<vmem>>, %arg10: memref<!tpu.dma_semaphore, #tpu.memory_space<semaphore_mem>>, %arg11: memref<!tpu.dma_semaphore, #tpu.memory_space<semaphore_mem>>) attributes {dimension_semantics = [#tpu.dimension_semantics<core_parallel>, #tpu.dimension_semantics<subcore_parallel>], iteration_bounds = array<i64: 2, 16>, scalar_prefetch = 0 : i64, scratch_operands = 6 : i64, tpu.core_type = #tpu.core_type<sc_vector_subcore>, window_params = [{transform_indices = #map}, {transform_indices = #map}, {transform_indices = #map1}, {transform_indices = #map1}]} {
    %mul3A = arith.constant 2 : i32
    %mul3A_0 = arith.muli %arg1, %mul3A : i32
    %add3A = arith.addi %mul3A_0, %arg0 : i32
    %mul3A_1 = arith.constant 13312 : i32
    %mul3A_2 = arith.muli %add3A, %mul3A_1 : i32
    "tpu.region"() ({
      %run_scoped3A = tpu.sem_alloc : memref<!tpu.dma_semaphore, #tpu.memory_space<semaphore_mem>>
      %dma_start3A_236 = tpu.memref_slice %arg2[%mul3A_2] : memref<425984xi32, #tpu.memory_space<hbm>> -> memref<13312xi32, #tpu.memory_space<hbm>>
      %dma_start3A_237 = tpu.memref_slice %arg2[%mul3A_2] : memref<425984xi32, #tpu.memory_space<hbm>> -> memref<13312xi32, #tpu.memory_space<hbm>>
      tpu.enqueue_dma source(%dma_start3A_237 : memref<13312xi32, #tpu.memory_space<hbm>>) target(%arg6 : memref<13312xi32, #tpu.memory_space<vmem>>) target_semaphore(%run_scoped3A : memref<!tpu.dma_semaphore, #tpu.memory_space<semaphore_mem>>)
      %dma_wait3A_238 = tpu.memref_slice %arg2[%mul3A_2] : memref<425984xi32, #tpu.memory_space<hbm>> -> memref<13312xi32, #tpu.memory_space<hbm>>
      %dma_wait3A_239 = tpu.memref_slice %arg2[%mul3A_2] : memref<425984xi32, #tpu.memory_space<hbm>> -> memref<13312xi32, #tpu.memory_space<hbm>>
      tpu.wait_dma2 semaphore(%run_scoped3A : memref<!tpu.dma_semaphore, #tpu.memory_space<semaphore_mem>>) src(%dma_wait3A_239 : memref<13312xi32, #tpu.memory_space<hbm>>) dst(%arg6 : memref<13312xi32, #tpu.memory_space<vmem>>)
      tpu.yield
    }) : () -> ()
    "tpu.region"() ({
      %run_scoped3A = tpu.sem_alloc : memref<!tpu.dma_semaphore, #tpu.memory_space<semaphore_mem>>
      tpu.enqueue_dma source(%arg3 : memref<208xi32, #tpu.memory_space<hbm>>) target(%arg7 : memref<208xi32, #tpu.memory_space<vmem>>) target_semaphore(%run_scoped3A : memref<!tpu.dma_semaphore, #tpu.memory_space<semaphore_mem>>)
      tpu.wait_dma2 semaphore(%run_scoped3A : memref<!tpu.dma_semaphore, #tpu.memory_space<semaphore_mem>>) src(%arg3 : memref<208xi32, #tpu.memory_space<hbm>>) dst(%arg7 : memref<208xi32, #tpu.memory_space<vmem>>)
      tpu.yield
    }) : () -> ()
    %get3A = arith.constant 0 : index
    %get3A_3 = tpu.vector_load %arg7[%get3A] {strides = array<i32>} : memref<208xi32, #tpu.memory_space<vmem>>, vector<16xi32>,
    %get3A_4 = vector.shape_cast %get3A_3 : vector<16xi32> to vector<16xi32>
    %get3A_5 = arith.constant 16 : index
    %get3A_6 = tpu.vector_load %arg7[%get3A_5] {strides = array<i32>} : memref<208xi32, #tpu.memory_space<vmem>>, vector<16xi32>,
    %get3A_7 = vector.shape_cast %get3A_6 : vector<16xi32> to vector<16xi32>
    %get3A_8 = arith.constant 32 : index
    %get3A_9 = tpu.vector_load %arg7[%get3A_8] {strides = array<i32>} : memref<208xi32, #tpu.memory_space<vmem>>, vector<16xi32>,
    %get3A_10 = vector.shape_cast %get3A_9 : vector<16xi32> to vector<16xi32>
    %get3A_11 = arith.constant 48 : index
    %get3A_12 = tpu.vector_load %arg7[%get3A_11] {strides = array<i32>} : memref<208xi32, #tpu.memory_space<vmem>>, vector<16xi32>,
    %get3A_13 = vector.shape_cast %get3A_12 : vector<16xi32> to vector<16xi32>
    %get3A_14 = arith.constant 64 : index
    %get3A_15 = tpu.vector_load %arg7[%get3A_14] {strides = array<i32>} : memref<208xi32, #tpu.memory_space<vmem>>, vector<16xi32>,
    %get3A_16 = vector.shape_cast %get3A_15 : vector<16xi32> to vector<16xi32>
    %get3A_17 = arith.constant 80 : index
    %get3A_18 = tpu.vector_load %arg7[%get3A_17] {strides = array<i32>} : memref<208xi32, #tpu.memory_space<vmem>>, vector<16xi32>,
    %get3A_19 = vector.shape_cast %get3A_18 : vector<16xi32> to vector<16xi32>
    %get3A_20 = arith.constant 96 : index
    %get3A_21 = tpu.vector_load %arg7[%get3A_20] {strides = array<i32>} : memref<208xi32, #tpu.memory_space<vmem>>, vector<16xi32>,
    %get3A_22 = vector.shape_cast %get3A_21 : vector<16xi32> to vector<16xi32>
    %get3A_23 = arith.constant 112 : index
    %get3A_24 = tpu.vector_load %arg7[%get3A_23] {strides = array<i32>} : memref<208xi32, #tpu.memory_space<vmem>>, vector<16xi32>,
    %get3A_25 = vector.shape_cast %get3A_24 : vector<16xi32> to vector<16xi32>
    %get3A_26 = arith.constant 128 : index
    %get3A_27 = tpu.vector_load %arg7[%get3A_26] {strides = array<i32>} : memref<208xi32, #tpu.memory_space<vmem>>, vector<16xi32>,
    %get3A_28 = vector.shape_cast %get3A_27 : vector<16xi32> to vector<16xi32>
    %get3A_29 = arith.constant 144 : index
    %get3A_30 = tpu.vector_load %arg7[%get3A_29] {strides = array<i32>} : memref<208xi32, #tpu.memory_space<vmem>>, vector<16xi32>,
    %get3A_31 = vector.shape_cast %get3A_30 : vector<16xi32> to vector<16xi32>
    %get3A_32 = arith.constant 160 : index
    %get3A_33 = tpu.vector_load %arg7[%get3A_32] {strides = array<i32>} : memref<208xi32, #tpu.memory_space<vmem>>, vector<16xi32>,
    %get3A_34 = vector.shape_cast %get3A_33 : vector<16xi32> to vector<16xi32>
    %get3A_35 = arith.constant 176 : index
    %get3A_36 = tpu.vector_load %arg7[%get3A_35] {strides = array<i32>} : memref<208xi32, #tpu.memory_space<vmem>>, vector<16xi32>,
    %get3A_37 = vector.shape_cast %get3A_36 : vector<16xi32> to vector<16xi32>
    %get3A_38 = arith.constant 192 : index
    %get3A_39 = tpu.vector_load %arg7[%get3A_38] {strides = array<i32>} : memref<208xi32, #tpu.memory_space<vmem>>, vector<16xi32>,
    %get3A_40 = vector.shape_cast %get3A_39 : vector<16xi32> to vector<16xi32>
    %scan3A = arith.constant 0 : i32
    %scan3A_41 = arith.constant 0 : i32
    %scan3A_42 = arith.constant 64 : i32
    %scan3A_43 = arith.addi %scan3A_41, %scan3A_42 : i32
    %scan3A_44 = arith.constant 1 : i32
    scf.for %scan3A_236 = %scan3A_41 to %scan3A_43 step %scan3A_44  : i32 {
      %mul3A_237 = arith.constant 208 : i32
      %mul3A_238 = arith.muli %scan3A_236, %mul3A_237 : i32
      %add3A_239 = arith.constant 0 : i32
      %add3A_240 = arith.addi %mul3A_238, %add3A_239 : i32
      %get3A_241 = arith.index_cast %add3A_240 : i32 to index
      %get3A_242 = tpu.vector_load %arg6[%get3A_241] {strides = array<i32>} : memref<13312xi32, #tpu.memory_space<vmem>>, vector<16xi32>,
      %get3A_243 = vector.shape_cast %get3A_242 : vector<16xi32> to vector<16xi32>
      %add3A_244 = arith.addi %get3A_243, %get3A_4 : vector<16xi32>
      %swap3A = arith.index_cast %add3A_240 : i32 to index
      %swap3A_245 = tpu.vector_load %arg6[%swap3A] {strides = array<i32>} : memref<13312xi32, #tpu.memory_space<vmem>>, vector<16xi32>,
      %swap3A_246 = vector.shape_cast %swap3A_245 : vector<16xi32> to vector<16xi32>
      %swap3A_247 = vector.shape_cast %add3A_244 : vector<16xi32> to vector<16xi32>
      tpu.vector_store %arg6[%swap3A], %swap3A_247 {strides = array<i32>} : memref<13312xi32, #tpu.memory_space<vmem>>, vector<16xi32>,
      %add3A_248 = arith.constant 16 : i32
      %add3A_249 = arith.addi %mul3A_238, %add3A_248 : i32
      %get3A_250 = arith.index_cast %add3A_249 : i32 to index
      %get3A_251 = tpu.vector_load %arg6[%get3A_250] {strides = array<i32>} : memref<13312xi32, #tpu.memory_space<vmem>>, vector<16xi32>,
      %get3A_252 = vector.shape_cast %get3A_251 : vector<16xi32> to vector<16xi32>
      %add3A_253 = arith.addi %get3A_252, %get3A_7 : vector<16xi32>
      %swap3A_254 = arith.index_cast %add3A_249 : i32 to index
      %swap3A_255 = tpu.vector_load %arg6[%swap3A_254] {strides = array<i32>} : memref<13312xi32, #tpu.memory_space<vmem>>, vector<16xi32>,
      %swap3A_256 = vector.shape_cast %swap3A_255 : vector<16xi32> to vector<16xi32>
      %swap3A_257 = vector.shape_cast %add3A_253 : vector<16xi32> to vector<16xi32>
      tpu.vector_store %arg6[%swap3A_254], %swap3A_257 {strides = array<i32>} : memref<13312xi32, #tpu.memory_space<vmem>>, vector<16xi32>,
      %add3A_258 = arith.constant 32 : i32
      %add3A_259 = arith.addi %mul3A_238, %add3A_258 : i32
      %get3A_260 = arith.index_cast %add3A_259 : i32 to index
      %get3A_261 = tpu.vector_load %arg6[%get3A_260] {strides = array<i32>} : memref<13312xi32, #tpu.memory_space<vmem>>, vector<16xi32>,
      %get3A_262 = vector.shape_cast %get3A_261 : vector<16xi32> to vector<16xi32>
      %add3A_263 = arith.addi %get3A_262, %get3A_10 : vector<16xi32>
      %swap3A_264 = arith.index_cast %add3A_259 : i32 to index
      %swap3A_265 = tpu.vector_load %arg6[%swap3A_264] {strides = array<i32>} : memref<13312xi32, #tpu.memory_space<vmem>>, vector<16xi32>,
      %swap3A_266 = vector.shape_cast %swap3A_265 : vector<16xi32> to vector<16xi32>
      %swap3A_267 = vector.shape_cast %add3A_263 : vector<16xi32> to vector<16xi32>
      tpu.vector_store %arg6[%swap3A_264], %swap3A_267 {strides = array<i32>} : memref<13312xi32, #tpu.memory_space<vmem>>, vector<16xi32>,
      %add3A_268 = arith.constant 48 : i32
      %add3A_269 = arith.addi %mul3A_238, %add3A_268 : i32
      %get3A_270 = arith.index_cast %add3A_269 : i32 to index
      %get3A_271 = tpu.vector_load %arg6[%get3A_270] {strides = array<i32>} : memref<13312xi32, #tpu.memory_space<vmem>>, vector<16xi32>,
      %get3A_272 = vector.shape_cast %get3A_271 : vector<16xi32> to vector<16xi32>
      %add3A_273 = arith.addi %get3A_272, %get3A_13 : vector<16xi32>
      %swap3A_274 = arith.index_cast %add3A_269 : i32 to index
      %swap3A_275 = tpu.vector_load %arg6[%swap3A_274] {strides = array<i32>} : memref<13312xi32, #tpu.memory_space<vmem>>, vector<16xi32>,
      %swap3A_276 = vector.shape_cast %swap3A_275 : vector<16xi32> to vector<16xi32>
      %swap3A_277 = vector.shape_cast %add3A_273 : vector<16xi32> to vector<16xi32>
      tpu.vector_store %arg6[%swap3A_274], %swap3A_277 {strides = array<i32>} : memref<13312xi32, #tpu.memory_space<vmem>>, vector<16xi32>,
      %add3A_278 = arith.constant 64 : i32
      %add3A_279 = arith.addi %mul3A_238, %add3A_278 : i32
      %get3A_280 = arith.index_cast %add3A_279 : i32 to index
      %get3A_281 = tpu.vector_load %arg6[%get3A_280] {strides = array<i32>} : memref<13312xi32, #tpu.memory_space<vmem>>, vector<16xi32>,
      %get3A_282 = vector.shape_cast %get3A_281 : vector<16xi32> to vector<16xi32>
      %add3A_283 = arith.addi %get3A_282, %get3A_16 : vector<16xi32>
      %swap3A_284 = arith.index_cast %add3A_279 : i32 to index
      %swap3A_285 = tpu.vector_load %arg6[%swap3A_284] {strides = array<i32>} : memref<13312xi32, #tpu.memory_space<vmem>>, vector<16xi32>,
      %swap3A_286 = vector.shape_cast %swap3A_285 : vector<16xi32> to vector<16xi32>
      %swap3A_287 = vector.shape_cast %add3A_283 : vector<16xi32> to vector<16xi32>
      tpu.vector_store %arg6[%swap3A_284], %swap3A_287 {strides = array<i32>} : memref<13312xi32, #tpu.memory_space<vmem>>, vector<16xi32>,
      %add3A_288 = arith.constant 80 : i32
      %add3A_289 = arith.addi %mul3A_238, %add3A_288 : i32
      %get3A_290 = arith.index_cast %add3A_289 : i32 to index
      %get3A_291 = tpu.vector_load %arg6[%get3A_290] {strides = array<i32>} : memref<13312xi32, #tpu.memory_space<vmem>>, vector<16xi32>,
      %get3A_292 = vector.shape_cast %get3A_291 : vector<16xi32> to vector<16xi32>
      %add3A_293 = arith.addi %get3A_292, %get3A_19 : vector<16xi32>
      %swap3A_294 = arith.index_cast %add3A_289 : i32 to index
      %swap3A_295 = tpu.vector_load %arg6[%swap3A_294] {strides = array<i32>} : memref<13312xi32, #tpu.memory_space<vmem>>, vector<16xi32>,
      %swap3A_296 = vector.shape_cast %swap3A_295 : vector<16xi32> to vector<16xi32>
      %swap3A_297 = vector.shape_cast %add3A_293 : vector<16xi32> to vector<16xi32>
      tpu.vector_store %arg6[%swap3A_294], %swap3A_297 {strides = array<i32>} : memref<13312xi32, #tpu.memory_space<vmem>>, vector<16xi32>,
      %add3A_298 = arith.constant 96 : i32
      %add3A_299 = arith.addi %mul3A_238, %add3A_298 : i32
      %get3A_300 = arith.index_cast %add3A_299 : i32 to index
      %get3A_301 = tpu.vector_load %arg6[%get3A_300] {strides = array<i32>} : memref<13312xi32, #tpu.memory_space<vmem>>, vector<16xi32>,
      %get3A_302 = vector.shape_cast %get3A_301 : vector<16xi32> to vector<16xi32>
      %add3A_303 = arith.addi %get3A_302, %get3A_22 : vector<16xi32>
      %swap3A_304 = arith.index_cast %add3A_299 : i32 to index
      %swap3A_305 = tpu.vector_load %arg6[%swap3A_304] {strides = array<i32>} : memref<13312xi32, #tpu.memory_space<vmem>>, vector<16xi32>,
      %swap3A_306 = vector.shape_cast %swap3A_305 : vector<16xi32> to vector<16xi32>
      %swap3A_307 = vector.shape_cast %add3A_303 : vector<16xi32> to vector<16xi32>
      tpu.vector_store %arg6[%swap3A_304], %swap3A_307 {strides = array<i32>} : memref<13312xi32, #tpu.memory_space<vmem>>, vector<16xi32>,
      %add3A_308 = arith.constant 112 : i32
      %add3A_309 = arith.addi %mul3A_238, %add3A_308 : i32
      %get3A_310 = arith.index_cast %add3A_309 : i32 to index
      %get3A_311 = tpu.vector_load %arg6[%get3A_310] {strides = array<i32>} : memref<13312xi32, #tpu.memory_space<vmem>>, vector<16xi32>,
      %get3A_312 = vector.shape_cast %get3A_311 : vector<16xi32> to vector<16xi32>
      %add3A_313 = arith.addi %get3A_312, %get3A_25 : vector<16xi32>
      %swap3A_314 = arith.index_cast %add3A_309 : i32 to index
      %swap3A_315 = tpu.vector_load %arg6[%swap3A_314] {strides = array<i32>} : memref<13312xi32, #tpu.memory_space<vmem>>, vector<16xi32>,
      %swap3A_316 = vector.shape_cast %swap3A_315 : vector<16xi32> to vector<16xi32>
      %swap3A_317 = vector.shape_cast %add3A_313 : vector<16xi32> to vector<16xi32>
      tpu.vector_store %arg6[%swap3A_314], %swap3A_317 {strides = array<i32>} : memref<13312xi32, #tpu.memory_space<vmem>>, vector<16xi32>,
      %add3A_318 = arith.constant 128 : i32
      %add3A_319 = arith.addi %mul3A_238, %add3A_318 : i32
      %get3A_320 = arith.index_cast %add3A_319 : i32 to index
      %get3A_321 = tpu.vector_load %arg6[%get3A_320] {strides = array<i32>} : memref<13312xi32, #tpu.memory_space<vmem>>, vector<16xi32>,
      %get3A_322 = vector.shape_cast %get3A_321 : vector<16xi32> to vector<16xi32>
      %add3A_323 = arith.addi %get3A_322, %get3A_28 : vector<16xi32>
      %swap3A_324 = arith.index_cast %add3A_319 : i32 to index
      %swap3A_325 = tpu.vector_load %arg6[%swap3A_324] {strides = array<i32>} : memref<13312xi32, #tpu.memory_space<vmem>>, vector<16xi32>,
      %swap3A_326 = vector.shape_cast %swap3A_325 : vector<16xi32> to vector<16xi32>
      %swap3A_327 = vector.shape_cast %add3A_323 : vector<16xi32> to vector<16xi32>
      tpu.vector_store %arg6[%swap3A_324], %swap3A_327 {strides = array<i32>} : memref<13312xi32, #tpu.memory_space<vmem>>, vector<16xi32>,
      %add3A_328 = arith.constant 144 : i32
      %add3A_329 = arith.addi %mul3A_238, %add3A_328 : i32
      %get3A_330 = arith.index_cast %add3A_329 : i32 to index
      %get3A_331 = tpu.vector_load %arg6[%get3A_330] {strides = array<i32>} : memref<13312xi32, #tpu.memory_space<vmem>>, vector<16xi32>,
      %get3A_332 = vector.shape_cast %get3A_331 : vector<16xi32> to vector<16xi32>
      %add3A_333 = arith.addi %get3A_332, %get3A_31 : vector<16xi32>
      %swap3A_334 = arith.index_cast %add3A_329 : i32 to index
      %swap3A_335 = tpu.vector_load %arg6[%swap3A_334] {strides = array<i32>} : memref<13312xi32, #tpu.memory_space<vmem>>, vector<16xi32>,
      %swap3A_336 = vector.shape_cast %swap3A_335 : vector<16xi32> to vector<16xi32>
      %swap3A_337 = vector.shape_cast %add3A_333 : vector<16xi32> to vector<16xi32>
      tpu.vector_store %arg6[%swap3A_334], %swap3A_337 {strides = array<i32>} : memref<13312xi32, #tpu.memory_space<vmem>>, vector<16xi32>,
      %add3A_338 = arith.constant 160 : i32
      %add3A_339 = arith.addi %mul3A_238, %add3A_338 : i32
      %get3A_340 = arith.index_cast %add3A_339 : i32 to index
      %get3A_341 = tpu.vector_load %arg6[%get3A_340] {strides = array<i32>} : memref<13312xi32, #tpu.memory_space<vmem>>, vector<16xi32>,
      %get3A_342 = vector.shape_cast %get3A_341 : vector<16xi32> to vector<16xi32>
      %add3A_343 = arith.addi %get3A_342, %get3A_34 : vector<16xi32>
      %swap3A_344 = arith.index_cast %add3A_339 : i32 to index
      %swap3A_345 = tpu.vector_load %arg6[%swap3A_344] {strides = array<i32>} : memref<13312xi32, #tpu.memory_space<vmem>>, vector<16xi32>,
      %swap3A_346 = vector.shape_cast %swap3A_345 : vector<16xi32> to vector<16xi32>
      %swap3A_347 = vector.shape_cast %add3A_343 : vector<16xi32> to vector<16xi32>
      tpu.vector_store %arg6[%swap3A_344], %swap3A_347 {strides = array<i32>} : memref<13312xi32, #tpu.memory_space<vmem>>, vector<16xi32>,
      %add3A_348 = arith.constant 176 : i32
      %add3A_349 = arith.addi %mul3A_238, %add3A_348 : i32
      %get3A_350 = arith.index_cast %add3A_349 : i32 to index
      %get3A_351 = tpu.vector_load %arg6[%get3A_350] {strides = array<i32>} : memref<13312xi32, #tpu.memory_space<vmem>>, vector<16xi32>,
      %get3A_352 = vector.shape_cast %get3A_351 : vector<16xi32> to vector<16xi32>
      %add3A_353 = arith.addi %get3A_352, %get3A_37 : vector<16xi32>
      %swap3A_354 = arith.index_cast %add3A_349 : i32 to index
      %swap3A_355 = tpu.vector_load %arg6[%swap3A_354] {strides = array<i32>} : memref<13312xi32, #tpu.memory_space<vmem>>, vector<16xi32>,
      %swap3A_356 = vector.shape_cast %swap3A_355 : vector<16xi32> to vector<16xi32>
      %swap3A_357 = vector.shape_cast %add3A_353 : vector<16xi32> to vector<16xi32>
      tpu.vector_store %arg6[%swap3A_354], %swap3A_357 {strides = array<i32>} : memref<13312xi32, #tpu.memory_space<vmem>>, vector<16xi32>,
      %add3A_358 = arith.constant 192 : i32
      %add3A_359 = arith.addi %mul3A_238, %add3A_358 : i32
      %get3A_360 = arith.index_cast %add3A_359 : i32 to index
      %get3A_361 = tpu.vector_load %arg6[%get3A_360] {strides = array<i32>} : memref<13312xi32, #tpu.memory_space<vmem>>, vector<16xi32>,
      %get3A_362 = vector.shape_cast %get3A_361 : vector<16xi32> to vector<16xi32>
      %add3A_363 = arith.addi %get3A_362, %get3A_40 : vector<16xi32>
      %swap3A_364 = arith.index_cast %add3A_359 : i32 to index
      %swap3A_365 = tpu.vector_load %arg6[%swap3A_364] {strides = array<i32>} : memref<13312xi32, #tpu.memory_space<vmem>>, vector<16xi32>,
      %swap3A_366 = vector.shape_cast %swap3A_365 : vector<16xi32> to vector<16xi32>
      %swap3A_367 = vector.shape_cast %add3A_363 : vector<16xi32> to vector<16xi32>
      tpu.vector_store %arg6[%swap3A_364], %swap3A_367 {strides = array<i32>} : memref<13312xi32, #tpu.memory_space<vmem>>, vector<16xi32>,
    }
    %scan3A_45 = arith.constant 64 : i32
    %dma_start3A = arith.constant 0 : i32
    %dma_start3A_46 = tpu.memref_slice %arg6[%dma_start3A] : memref<13312xi32, #tpu.memory_space<vmem>> -> memref<832xi32, #tpu.memory_space<vmem>>
    %dma_start3A_47 = arith.constant 0 : i32
    %dma_start3A_48 = arith.constant 0 : i32
    %dma_start3A_49 = tpu.memref_slice %arg4[%dma_start3A_47, %dma_start3A_48] : memref<2600000x32xf32, #tpu.memory_space<hbm>> -> memref<2600000x32xf32, #tpu.memory_space<hbm>>
    tpu.enqueue_indirect_dma source(%dma_start3A_49 : memref<2600000x32xf32, #tpu.memory_space<hbm>>) target(%arg8 : memref<832x32xf32, #tpu.memory_space<vmem>>) offsets(%dma_start3A_46 : memref<832xi32, #tpu.memory_space<vmem>>) semaphore(%arg10 : memref<!tpu.dma_semaphore, #tpu.memory_space<semaphore_mem>>)
    %dma_wait3A = arith.constant 0 : i32
    %dma_wait3A_50 = tpu.memref_slice %arg6[%dma_wait3A] : memref<13312xi32, #tpu.memory_space<vmem>> -> memref<832xi32, #tpu.memory_space<vmem>>
    %dma_wait3A_51 = arith.constant 0 : i32
    %dma_wait3A_52 = arith.constant 0 : i32
    %dma_wait3A_53 = tpu.memref_slice %arg4[%dma_wait3A_51, %dma_wait3A_52] : memref<2600000x32xf32, #tpu.memory_space<hbm>> -> memref<2600000x32xf32, #tpu.memory_space<hbm>>
    tpu.wait_indirect_dma semaphore(%arg10 : memref<!tpu.dma_semaphore, #tpu.memory_space<semaphore_mem>>) src(%dma_wait3A_53 : memref<2600000x32xf32, #tpu.memory_space<hbm>>) dst(%arg8 : memref<832x32xf32, #tpu.memory_space<vmem>>)
    %add3A_54 = arith.constant 0 : i32
    %add3A_55 = arith.addi %mul3A_2, %add3A_54 : i32
    "tpu.region"() ({
      %run_scoped3A = tpu.sem_alloc : memref<!tpu.dma_semaphore, #tpu.memory_space<semaphore_mem>>
      %dma_start3A_236 = arith.constant 0 : i32
      %dma_start3A_237 = tpu.memref_slice %arg5[%add3A_55, %dma_start3A_236] : memref<425984x32xf32, #tpu.memory_space<hbm>> -> memref<832x32xf32, #tpu.memory_space<hbm>>
      %dma_start3A_238 = arith.constant 0 : i32
      %dma_start3A_239 = tpu.memref_slice %arg5[%add3A_55, %dma_start3A_238] : memref<425984x32xf32, #tpu.memory_space<hbm>> -> memref<832x32xf32, #tpu.memory_space<hbm>>
      tpu.enqueue_dma source(%arg8 : memref<832x32xf32, #tpu.memory_space<vmem>>) target(%dma_start3A_239 : memref<832x32xf32, #tpu.memory_space<hbm>>) target_semaphore(%run_scoped3A : memref<!tpu.dma_semaphore, #tpu.memory_space<semaphore_mem>>)
      %dma_wait3A_240 = arith.constant 0 : i32
      %dma_wait3A_241 = tpu.memref_slice %arg5[%add3A_55, %dma_wait3A_240] : memref<425984x32xf32, #tpu.memory_space<hbm>> -> memref<832x32xf32, #tpu.memory_space<hbm>>
      %dma_wait3A_242 = arith.constant 0 : i32
      %dma_wait3A_243 = tpu.memref_slice %arg5[%add3A_55, %dma_wait3A_242] : memref<425984x32xf32, #tpu.memory_space<hbm>> -> memref<832x32xf32, #tpu.memory_space<hbm>>
      tpu.wait_dma2 semaphore(%run_scoped3A : memref<!tpu.dma_semaphore, #tpu.memory_space<semaphore_mem>>) src(%arg8 : memref<832x32xf32, #tpu.memory_space<vmem>>) dst(%dma_wait3A_243 : memref<832x32xf32, #tpu.memory_space<hbm>>)
      tpu.yield
    }) : () -> ()
    %dma_start3A_56 = arith.constant 832 : i32
    %dma_start3A_57 = tpu.memref_slice %arg6[%dma_start3A_56] : memref<13312xi32, #tpu.memory_space<vmem>> -> memref<832xi32, #tpu.memory_space<vmem>>
    %dma_start3A_58 = arith.constant 0 : i32
    %dma_start3A_59 = arith.constant 0 : i32
    %dma_start3A_60 = tpu.memref_slice %arg4[%dma_start3A_58, %dma_start3A_59] : memref<2600000x32xf32, #tpu.memory_space<hbm>> -> memref<2600000x32xf32, #tpu.memory_space<hbm>>
    tpu.enqueue_indirect_dma source(%dma_start3A_60 : memref<2600000x32xf32, #tpu.memory_space<hbm>>) target(%arg9 : memref<832x32xf32, #tpu.memory_space<vmem>>) offsets(%dma_start3A_57 : memref<832xi32, #tpu.memory_space<vmem>>) semaphore(%arg10 : memref<!tpu.dma_semaphore, #tpu.memory_space<semaphore_mem>>)
    %dma_wait3A_61 = arith.constant 832 : i32
    %dma_wait3A_62 = tpu.memref_slice %arg6[%dma_wait3A_61] : memref<13312xi32, #tpu.memory_space<vmem>> -> memref<832xi32, #tpu.memory_space<vmem>>
    %dma_wait3A_63 = arith.constant 0 : i32
    %dma_wait3A_64 = arith.constant 0 : i32
    %dma_wait3A_65 = tpu.memref_slice %arg4[%dma_wait3A_63, %dma_wait3A_64] : memref<2600000x32xf32, #tpu.memory_space<hbm>> -> memref<2600000x32xf32, #tpu.memory_space<hbm>>
    tpu.wait_indirect_dma semaphore(%arg10 : memref<!tpu.dma_semaphore, #tpu.memory_space<semaphore_mem>>) src(%dma_wait3A_65 : memref<2600000x32xf32, #tpu.memory_space<hbm>>) dst(%arg9 : memref<832x32xf32, #tpu.memory_space<vmem>>)
    %add3A_66 = arith.constant 832 : i32
    %add3A_67 = arith.addi %mul3A_2, %add3A_66 : i32
    "tpu.region"() ({
      %run_scoped3A = tpu.sem_alloc : memref<!tpu.dma_semaphore, #tpu.memory_space<semaphore_mem>>
      %dma_start3A_236 = arith.constant 0 : i32
      %dma_start3A_237 = tpu.memref_slice %arg5[%add3A_67, %dma_start3A_236] : memref<425984x32xf32, #tpu.memory_space<hbm>> -> memref<832x32xf32, #tpu.memory_space<hbm>>
      %dma_start3A_238 = arith.constant 0 : i32
      %dma_start3A_239 = tpu.memref_slice %arg5[%add3A_67, %dma_start3A_238] : memref<425984x32xf32, #tpu.memory_space<hbm>> -> memref<832x32xf32, #tpu.memory_space<hbm>>
      tpu.enqueue_dma source(%arg9 : memref<832x32xf32, #tpu.memory_space<vmem>>) target(%dma_start3A_239 : memref<832x32xf32, #tpu.memory_space<hbm>>) target_semaphore(%run_scoped3A : memref<!tpu.dma_semaphore, #tpu.memory_space<semaphore_mem>>)
      %dma_wait3A_240 = arith.constant 0 : i32
      %dma_wait3A_241 = tpu.memref_slice %arg5[%add3A_67, %dma_wait3A_240] : memref<425984x32xf32, #tpu.memory_space<hbm>> -> memref<832x32xf32, #tpu.memory_space<hbm>>
      %dma_wait3A_242 = arith.constant 0 : i32
      %dma_wait3A_243 = tpu.memref_slice %arg5[%add3A_67, %dma_wait3A_242] : memref<425984x32xf32, #tpu.memory_space<hbm>> -> memref<832x32xf32, #tpu.memory_space<hbm>>
      tpu.wait_dma2 semaphore(%run_scoped3A : memref<!tpu.dma_semaphore, #tpu.memory_space<semaphore_mem>>) src(%arg9 : memref<832x32xf32, #tpu.memory_space<vmem>>) dst(%dma_wait3A_243 : memref<832x32xf32, #tpu.memory_space<hbm>>)
      tpu.yield
    }) : () -> ()
    %dma_start3A_68 = arith.constant 1664 : i32
    %dma_start3A_69 = tpu.memref_slice %arg6[%dma_start3A_68] : memref<13312xi32, #tpu.memory_space<vmem>> -> memref<832xi32, #tpu.memory_space<vmem>>
    %dma_start3A_70 = arith.constant 0 : i32
    %dma_start3A_71 = arith.constant 0 : i32
    %dma_start3A_72 = tpu.memref_slice %arg4[%dma_start3A_70, %dma_start3A_71] : memref<2600000x32xf32, #tpu.memory_space<hbm>> -> memref<2600000x32xf32, #tpu.memory_space<hbm>>
    tpu.enqueue_indirect_dma source(%dma_start3A_72 : memref<2600000x32xf32, #tpu.memory_space<hbm>>) target(%arg8 : memref<832x32xf32, #tpu.memory_space<vmem>>) offsets(%dma_start3A_69 : memref<832xi32, #tpu.memory_space<vmem>>) semaphore(%arg10 : memref<!tpu.dma_semaphore, #tpu.memory_space<semaphore_mem>>)
    %dma_wait3A_73 = arith.constant 1664 : i32
    %dma_wait3A_74 = tpu.memref_slice %arg6[%dma_wait3A_73] : memref<13312xi32, #tpu.memory_space<vmem>> -> memref<832xi32, #tpu.memory_space<vmem>>
    %dma_wait3A_75 = arith.constant 0 : i32
    %dma_wait3A_76 = arith.constant 0 : i32
    %dma_wait3A_77 = tpu.memref_slice %arg4[%dma_wait3A_75, %dma_wait3A_76] : memref<2600000x32xf32, #tpu.memory_space<hbm>> -> memref<2600000x32xf32, #tpu.memory_space<hbm>>
    tpu.wait_indirect_dma semaphore(%arg10 : memref<!tpu.dma_semaphore, #tpu.memory_space<semaphore_mem>>) src(%dma_wait3A_77 : memref<2600000x32xf32, #tpu.memory_space<hbm>>) dst(%arg8 : memref<832x32xf32, #tpu.memory_space<vmem>>)
    %add3A_78 = arith.constant 1664 : i32
    %add3A_79 = arith.addi %mul3A_2, %add3A_78 : i32
    "tpu.region"() ({
      %run_scoped3A = tpu.sem_alloc : memref<!tpu.dma_semaphore, #tpu.memory_space<semaphore_mem>>
      %dma_start3A_236 = arith.constant 0 : i32
      %dma_start3A_237 = tpu.memref_slice %arg5[%add3A_79, %dma_start3A_236] : memref<425984x32xf32, #tpu.memory_space<hbm>> -> memref<832x32xf32, #tpu.memory_space<hbm>>
      %dma_start3A_238 = arith.constant 0 : i32
      %dma_start3A_239 = tpu.memref_slice %arg5[%add3A_79, %dma_start3A_238] : memref<425984x32xf32, #tpu.memory_space<hbm>> -> memref<832x32xf32, #tpu.memory_space<hbm>>
      tpu.enqueue_dma source(%arg8 : memref<832x32xf32, #tpu.memory_space<vmem>>) target(%dma_start3A_239 : memref<832x32xf32, #tpu.memory_space<hbm>>) target_semaphore(%run_scoped3A : memref<!tpu.dma_semaphore, #tpu.memory_space<semaphore_mem>>)
      %dma_wait3A_240 = arith.constant 0 : i32
      %dma_wait3A_241 = tpu.memref_slice %arg5[%add3A_79, %dma_wait3A_240] : memref<425984x32xf32, #tpu.memory_space<hbm>> -> memref<832x32xf32, #tpu.memory_space<hbm>>
      %dma_wait3A_242 = arith.constant 0 : i32
      %dma_wait3A_243 = tpu.memref_slice %arg5[%add3A_79, %dma_wait3A_242] : memref<425984x32xf32, #tpu.memory_space<hbm>> -> memref<832x32xf32, #tpu.memory_space<hbm>>
      tpu.wait_dma2 semaphore(%run_scoped3A : memref<!tpu.dma_semaphore, #tpu.memory_space<semaphore_mem>>) src(%arg8 : memref<832x32xf32, #tpu.memory_space<vmem>>) dst(%dma_wait3A_243 : memref<832x32xf32, #tpu.memory_space<hbm>>)
      tpu.yield
    }) : () -> ()
    %dma_start3A_80 = arith.constant 2496 : i32
    %dma_start3A_81 = tpu.memref_slice %arg6[%dma_start3A_80] : memref<13312xi32, #tpu.memory_space<vmem>> -> memref<832xi32, #tpu.memory_space<vmem>>
    %dma_start3A_82 = arith.constant 0 : i32
    %dma_start3A_83 = arith.constant 0 : i32
    %dma_start3A_84 = tpu.memref_slice %arg4[%dma_start3A_82, %dma_start3A_83] : memref<2600000x32xf32, #tpu.memory_space<hbm>> -> memref<2600000x32xf32, #tpu.memory_space<hbm>>
    tpu.enqueue_indirect_dma source(%dma_start3A_84 : memref<2600000x32xf32, #tpu.memory_space<hbm>>) target(%arg9 : memref<832x32xf32, #tpu.memory_space<vmem>>) offsets(%dma_start3A_81 : memref<832xi32, #tpu.memory_space<vmem>>) semaphore(%arg10 : memref<!tpu.dma_semaphore, #tpu.memory_space<semaphore_mem>>)
    %dma_wait3A_85 = arith.constant 2496 : i32
    %dma_wait3A_86 = tpu.memref_slice %arg6[%dma_wait3A_85] : memref<13312xi32, #tpu.memory_space<vmem>> -> memref<832xi32, #tpu.memory_space<vmem>>
    %dma_wait3A_87 = arith.constant 0 : i32
    %dma_wait3A_88 = arith.constant 0 : i32
    %dma_wait3A_89 = tpu.memref_slice %arg4[%dma_wait3A_87, %dma_wait3A_88] : memref<2600000x32xf32, #tpu.memory_space<hbm>> -> memref<2600000x32xf32, #tpu.memory_space<hbm>>
    tpu.wait_indirect_dma semaphore(%arg10 : memref<!tpu.dma_semaphore, #tpu.memory_space<semaphore_mem>>) src(%dma_wait3A_89 : memref<2600000x32xf32, #tpu.memory_space<hbm>>) dst(%arg9 : memref<832x32xf32, #tpu.memory_space<vmem>>)
    %add3A_90 = arith.constant 2496 : i32
    %add3A_91 = arith.addi %mul3A_2, %add3A_90 : i32
    "tpu.region"() ({
      %run_scoped3A = tpu.sem_alloc : memref<!tpu.dma_semaphore, #tpu.memory_space<semaphore_mem>>
      %dma_start3A_236 = arith.constant 0 : i32
      %dma_start3A_237 = tpu.memref_slice %arg5[%add3A_91, %dma_start3A_236] : memref<425984x32xf32, #tpu.memory_space<hbm>> -> memref<832x32xf32, #tpu.memory_space<hbm>>
      %dma_start3A_238 = arith.constant 0 : i32
      %dma_start3A_239 = tpu.memref_slice %arg5[%add3A_91, %dma_start3A_238] : memref<425984x32xf32, #tpu.memory_space<hbm>> -> memref<832x32xf32, #tpu.memory_space<hbm>>
      tpu.enqueue_dma source(%arg9 : memref<832x32xf32, #tpu.memory_space<vmem>>) target(%dma_start3A_239 : memref<832x32xf32, #tpu.memory_space<hbm>>) target_semaphore(%run_scoped3A : memref<!tpu.dma_semaphore, #tpu.memory_space<semaphore_mem>>)
      %dma_wait3A_240 = arith.constant 0 : i32
      %dma_wait3A_241 = tpu.memref_slice %arg5[%add3A_91, %dma_wait3A_240] : memref<425984x32xf32, #tpu.memory_space<hbm>> -> memref<832x32xf32, #tpu.memory_space<hbm>>
      %dma_wait3A_242 = arith.constant 0 : i32
      %dma_wait3A_243 = tpu.memref_slice %arg5[%add3A_91, %dma_wait3A_242] : memref<425984x32xf32, #tpu.memory_space<hbm>> -> memref<832x32xf32, #tpu.memory_space<hbm>>
      tpu.wait_dma2 semaphore(%run_scoped3A : memref<!tpu.dma_semaphore, #tpu.memory_space<semaphore_mem>>) src(%arg9 : memref<832x32xf32, #tpu.memory_space<vmem>>) dst(%dma_wait3A_243 : memref<832x32xf32, #tpu.memory_space<hbm>>)
      tpu.yield
    }) : () -> ()
    %dma_start3A_92 = arith.constant 3328 : i32
    %dma_start3A_93 = tpu.memref_slice %arg6[%dma_start3A_92] : memref<13312xi32, #tpu.memory_space<vmem>> -> memref<832xi32, #tpu.memory_space<vmem>>
    %dma_start3A_94 = arith.constant 0 : i32
    %dma_start3A_95 = arith.constant 0 : i32
    %dma_start3A_96 = tpu.memref_slice %arg4[%dma_start3A_94, %dma_start3A_95] : memref<2600000x32xf32, #tpu.memory_space<hbm>> -> memref<2600000x32xf32, #tpu.memory_space<hbm>>
    tpu.enqueue_indirect_dma source(%dma_start3A_96 : memref<2600000x32xf32, #tpu.memory_space<hbm>>) target(%arg8 : memref<832x32xf32, #tpu.memory_space<vmem>>) offsets(%dma_start3A_93 : memref<832xi32, #tpu.memory_space<vmem>>) semaphore(%arg10 : memref<!tpu.dma_semaphore, #tpu.memory_space<semaphore_mem>>)
    %dma_wait3A_97 = arith.constant 3328 : i32
    %dma_wait3A_98 = tpu.memref_slice %arg6[%dma_wait3A_97] : memref<13312xi32, #tpu.memory_space<vmem>> -> memref<832xi32, #tpu.memory_space<vmem>>
    %dma_wait3A_99 = arith.constant 0 : i32
    %dma_wait3A_100 = arith.constant 0 : i32
    %dma_wait3A_101 = tpu.memref_slice %arg4[%dma_wait3A_99, %dma_wait3A_100] : memref<2600000x32xf32, #tpu.memory_space<hbm>> -> memref<2600000x32xf32, #tpu.memory_space<hbm>>
    tpu.wait_indirect_dma semaphore(%arg10 : memref<!tpu.dma_semaphore, #tpu.memory_space<semaphore_mem>>) src(%dma_wait3A_101 : memref<2600000x32xf32, #tpu.memory_space<hbm>>) dst(%arg8 : memref<832x32xf32, #tpu.memory_space<vmem>>)
    %add3A_102 = arith.constant 3328 : i32
    %add3A_103 = arith.addi %mul3A_2, %add3A_102 : i32
    "tpu.region"() ({
      %run_scoped3A = tpu.sem_alloc : memref<!tpu.dma_semaphore, #tpu.memory_space<semaphore_mem>>
      %dma_start3A_236 = arith.constant 0 : i32
      %dma_start3A_237 = tpu.memref_slice %arg5[%add3A_103, %dma_start3A_236] : memref<425984x32xf32, #tpu.memory_space<hbm>> -> memref<832x32xf32, #tpu.memory_space<hbm>>
      %dma_start3A_238 = arith.constant 0 : i32
      %dma_start3A_239 = tpu.memref_slice %arg5[%add3A_103, %dma_start3A_238] : memref<425984x32xf32, #tpu.memory_space<hbm>> -> memref<832x32xf32, #tpu.memory_space<hbm>>
      tpu.enqueue_dma source(%arg8 : memref<832x32xf32, #tpu.memory_space<vmem>>) target(%dma_start3A_239 : memref<832x32xf32, #tpu.memory_space<hbm>>) target_semaphore(%run_scoped3A : memref<!tpu.dma_semaphore, #tpu.memory_space<semaphore_mem>>)
      %dma_wait3A_240 = arith.constant 0 : i32
      %dma_wait3A_241 = tpu.memref_slice %arg5[%add3A_103, %dma_wait3A_240] : memref<425984x32xf32, #tpu.memory_space<hbm>> -> memref<832x32xf32, #tpu.memory_space<hbm>>
      %dma_wait3A_242 = arith.constant 0 : i32
      %dma_wait3A_243 = tpu.memref_slice %arg5[%add3A_103, %dma_wait3A_242] : memref<425984x32xf32, #tpu.memory_space<hbm>> -> memref<832x32xf32, #tpu.memory_space<hbm>>
      tpu.wait_dma2 semaphore(%run_scoped3A : memref<!tpu.dma_semaphore, #tpu.memory_space<semaphore_mem>>) src(%arg8 : memref<832x32xf32, #tpu.memory_space<vmem>>) dst(%dma_wait3A_243 : memref<832x32xf32, #tpu.memory_space<hbm>>)
      tpu.yield
    }) : () -> ()
    %dma_start3A_104 = arith.constant 4160 : i32
    %dma_start3A_105 = tpu.memref_slice %arg6[%dma_start3A_104] : memref<13312xi32, #tpu.memory_space<vmem>> -> memref<832xi32, #tpu.memory_space<vmem>>
    %dma_start3A_106 = arith.constant 0 : i32
    %dma_start3A_107 = arith.constant 0 : i32
    %dma_start3A_108 = tpu.memref_slice %arg4[%dma_start3A_106, %dma_start3A_107] : memref<2600000x32xf32, #tpu.memory_space<hbm>> -> memref<2600000x32xf32, #tpu.memory_space<hbm>>
    tpu.enqueue_indirect_dma source(%dma_start3A_108 : memref<2600000x32xf32, #tpu.memory_space<hbm>>) target(%arg9 : memref<832x32xf32, #tpu.memory_space<vmem>>) offsets(%dma_start3A_105 : memref<832xi32, #tpu.memory_space<vmem>>) semaphore(%arg10 : memref<!tpu.dma_semaphore, #tpu.memory_space<semaphore_mem>>)
    %dma_wait3A_109 = arith.constant 4160 : i32
    %dma_wait3A_110 = tpu.memref_slice %arg6[%dma_wait3A_109] : memref<13312xi32, #tpu.memory_space<vmem>> -> memref<832xi32, #tpu.memory_space<vmem>>
    %dma_wait3A_111 = arith.constant 0 : i32
    %dma_wait3A_112 = arith.constant 0 : i32
    %dma_wait3A_113 = tpu.memref_slice %arg4[%dma_wait3A_111, %dma_wait3A_112] : memref<2600000x32xf32, #tpu.memory_space<hbm>> -> memref<2600000x32xf32, #tpu.memory_space<hbm>>
    tpu.wait_indirect_dma semaphore(%arg10 : memref<!tpu.dma_semaphore, #tpu.memory_space<semaphore_mem>>) src(%dma_wait3A_113 : memref<2600000x32xf32, #tpu.memory_space<hbm>>) dst(%arg9 : memref<832x32xf32, #tpu.memory_space<vmem>>)
    %add3A_114 = arith.constant 4160 : i32
    %add3A_115 = arith.addi %mul3A_2, %add3A_114 : i32
    "tpu.region"() ({
      %run_scoped3A = tpu.sem_alloc : memref<!tpu.dma_semaphore, #tpu.memory_space<semaphore_mem>>
      %dma_start3A_236 = arith.constant 0 : i32
      %dma_start3A_237 = tpu.memref_slice %arg5[%add3A_115, %dma_start3A_236] : memref<425984x32xf32, #tpu.memory_space<hbm>> -> memref<832x32xf32, #tpu.memory_space<hbm>>
      %dma_start3A_238 = arith.constant 0 : i32
      %dma_start3A_239 = tpu.memref_slice %arg5[%add3A_115, %dma_start3A_238] : memref<425984x32xf32, #tpu.memory_space<hbm>> -> memref<832x32xf32, #tpu.memory_space<hbm>>
      tpu.enqueue_dma source(%arg9 : memref<832x32xf32, #tpu.memory_space<vmem>>) target(%dma_start3A_239 : memref<832x32xf32, #tpu.memory_space<hbm>>) target_semaphore(%run_scoped3A : memref<!tpu.dma_semaphore, #tpu.memory_space<semaphore_mem>>)
      %dma_wait3A_240 = arith.constant 0 : i32
      %dma_wait3A_241 = tpu.memref_slice %arg5[%add3A_115, %dma_wait3A_240] : memref<425984x32xf32, #tpu.memory_space<hbm>> -> memref<832x32xf32, #tpu.memory_space<hbm>>
      %dma_wait3A_242 = arith.constant 0 : i32
      %dma_wait3A_243 = tpu.memref_slice %arg5[%add3A_115, %dma_wait3A_242] : memref<425984x32xf32, #tpu.memory_space<hbm>> -> memref<832x32xf32, #tpu.memory_space<hbm>>
      tpu.wait_dma2 semaphore(%run_scoped3A : memref<!tpu.dma_semaphore, #tpu.memory_space<semaphore_mem>>) src(%arg9 : memref<832x32xf32, #tpu.memory_space<vmem>>) dst(%dma_wait3A_243 : memref<832x32xf32, #tpu.memory_space<hbm>>)
      tpu.yield
    }) : () -> ()
    %dma_start3A_116 = arith.constant 4992 : i32
    %dma_start3A_117 = tpu.memref_slice %arg6[%dma_start3A_116] : memref<13312xi32, #tpu.memory_space<vmem>> -> memref<832xi32, #tpu.memory_space<vmem>>
    %dma_start3A_118 = arith.constant 0 : i32
    %dma_start3A_119 = arith.constant 0 : i32
    %dma_start3A_120 = tpu.memref_slice %arg4[%dma_start3A_118, %dma_start3A_119] : memref<2600000x32xf32, #tpu.memory_space<hbm>> -> memref<2600000x32xf32, #tpu.memory_space<hbm>>
    tpu.enqueue_indirect_dma source(%dma_start3A_120 : memref<2600000x32xf32, #tpu.memory_space<hbm>>) target(%arg8 : memref<832x32xf32, #tpu.memory_space<vmem>>) offsets(%dma_start3A_117 : memref<832xi32, #tpu.memory_space<vmem>>) semaphore(%arg10 : memref<!tpu.dma_semaphore, #tpu.memory_space<semaphore_mem>>)
    %dma_wait3A_121 = arith.constant 4992 : i32
    %dma_wait3A_122 = tpu.memref_slice %arg6[%dma_wait3A_121] : memref<13312xi32, #tpu.memory_space<vmem>> -> memref<832xi32, #tpu.memory_space<vmem>>
    %dma_wait3A_123 = arith.constant 0 : i32
    %dma_wait3A_124 = arith.constant 0 : i32
    %dma_wait3A_125 = tpu.memref_slice %arg4[%dma_wait3A_123, %dma_wait3A_124] : memref<2600000x32xf32, #tpu.memory_space<hbm>> -> memref<2600000x32xf32, #tpu.memory_space<hbm>>
    tpu.wait_indirect_dma semaphore(%arg10 : memref<!tpu.dma_semaphore, #tpu.memory_space<semaphore_mem>>) src(%dma_wait3A_125 : memref<2600000x32xf32, #tpu.memory_space<hbm>>) dst(%arg8 : memref<832x32xf32, #tpu.memory_space<vmem>>)
    %add3A_126 = arith.constant 4992 : i32
    %add3A_127 = arith.addi %mul3A_2, %add3A_126 : i32
    "tpu.region"() ({
      %run_scoped3A = tpu.sem_alloc : memref<!tpu.dma_semaphore, #tpu.memory_space<semaphore_mem>>
      %dma_start3A_236 = arith.constant 0 : i32
      %dma_start3A_237 = tpu.memref_slice %arg5[%add3A_127, %dma_start3A_236] : memref<425984x32xf32, #tpu.memory_space<hbm>> -> memref<832x32xf32, #tpu.memory_space<hbm>>
      %dma_start3A_238 = arith.constant 0 : i32
      %dma_start3A_239 = tpu.memref_slice %arg5[%add3A_127, %dma_start3A_238] : memref<425984x32xf32, #tpu.memory_space<hbm>> -> memref<832x32xf32, #tpu.memory_space<hbm>>
      tpu.enqueue_dma source(%arg8 : memref<832x32xf32, #tpu.memory_space<vmem>>) target(%dma_start3A_239 : memref<832x32xf32, #tpu.memory_space<hbm>>) target_semaphore(%run_scoped3A : memref<!tpu.dma_semaphore, #tpu.memory_space<semaphore_mem>>)
      %dma_wait3A_240 = arith.constant 0 : i32
      %dma_wait3A_241 = tpu.memref_slice %arg5[%add3A_127, %dma_wait3A_240] : memref<425984x32xf32, #tpu.memory_space<hbm>> -> memref<832x32xf32, #tpu.memory_space<hbm>>
      %dma_wait3A_242 = arith.constant 0 : i32
      %dma_wait3A_243 = tpu.memref_slice %arg5[%add3A_127, %dma_wait3A_242] : memref<425984x32xf32, #tpu.memory_space<hbm>> -> memref<832x32xf32, #tpu.memory_space<hbm>>
      tpu.wait_dma2 semaphore(%run_scoped3A : memref<!tpu.dma_semaphore, #tpu.memory_space<semaphore_mem>>) src(%arg8 : memref<832x32xf32, #tpu.memory_space<vmem>>) dst(%dma_wait3A_243 : memref<832x32xf32, #tpu.memory_space<hbm>>)
      tpu.yield
    }) : () -> ()
    %dma_start3A_128 = arith.constant 5824 : i32
    %dma_start3A_129 = tpu.memref_slice %arg6[%dma_start3A_128] : memref<13312xi32, #tpu.memory_space<vmem>> -> memref<832xi32, #tpu.memory_space<vmem>>
    %dma_start3A_130 = arith.constant 0 : i32
    %dma_start3A_131 = arith.constant 0 : i32
    %dma_start3A_132 = tpu.memref_slice %arg4[%dma_start3A_130, %dma_start3A_131] : memref<2600000x32xf32, #tpu.memory_space<hbm>> -> memref<2600000x32xf32, #tpu.memory_space<hbm>>
    tpu.enqueue_indirect_dma source(%dma_start3A_132 : memref<2600000x32xf32, #tpu.memory_space<hbm>>) target(%arg9 : memref<832x32xf32, #tpu.memory_space<vmem>>) offsets(%dma_start3A_129 : memref<832xi32, #tpu.memory_space<vmem>>) semaphore(%arg10 : memref<!tpu.dma_semaphore, #tpu.memory_space<semaphore_mem>>)
    %dma_wait3A_133 = arith.constant 5824 : i32
    %dma_wait3A_134 = tpu.memref_slice %arg6[%dma_wait3A_133] : memref<13312xi32, #tpu.memory_space<vmem>> -> memref<832xi32, #tpu.memory_space<vmem>>
    %dma_wait3A_135 = arith.constant 0 : i32
    %dma_wait3A_136 = arith.constant 0 : i32
    %dma_wait3A_137 = tpu.memref_slice %arg4[%dma_wait3A_135, %dma_wait3A_136] : memref<2600000x32xf32, #tpu.memory_space<hbm>> -> memref<2600000x32xf32, #tpu.memory_space<hbm>>
    tpu.wait_indirect_dma semaphore(%arg10 : memref<!tpu.dma_semaphore, #tpu.memory_space<semaphore_mem>>) src(%dma_wait3A_137 : memref<2600000x32xf32, #tpu.memory_space<hbm>>) dst(%arg9 : memref<832x32xf32, #tpu.memory_space<vmem>>)
    %add3A_138 = arith.constant 5824 : i32
    %add3A_139 = arith.addi %mul3A_2, %add3A_138 : i32
    "tpu.region"() ({
      %run_scoped3A = tpu.sem_alloc : memref<!tpu.dma_semaphore, #tpu.memory_space<semaphore_mem>>
      %dma_start3A_236 = arith.constant 0 : i32
      %dma_start3A_237 = tpu.memref_slice %arg5[%add3A_139, %dma_start3A_236] : memref<425984x32xf32, #tpu.memory_space<hbm>> -> memref<832x32xf32, #tpu.memory_space<hbm>>
      %dma_start3A_238 = arith.constant 0 : i32
      %dma_start3A_239 = tpu.memref_slice %arg5[%add3A_139, %dma_start3A_238] : memref<425984x32xf32, #tpu.memory_space<hbm>> -> memref<832x32xf32, #tpu.memory_space<hbm>>
      tpu.enqueue_dma source(%arg9 : memref<832x32xf32, #tpu.memory_space<vmem>>) target(%dma_start3A_239 : memref<832x32xf32, #tpu.memory_space<hbm>>) target_semaphore(%run_scoped3A : memref<!tpu.dma_semaphore, #tpu.memory_space<semaphore_mem>>)
      %dma_wait3A_240 = arith.constant 0 : i32
      %dma_wait3A_241 = tpu.memref_slice %arg5[%add3A_139, %dma_wait3A_240] : memref<425984x32xf32, #tpu.memory_space<hbm>> -> memref<832x32xf32, #tpu.memory_space<hbm>>
      %dma_wait3A_242 = arith.constant 0 : i32
      %dma_wait3A_243 = tpu.memref_slice %arg5[%add3A_139, %dma_wait3A_242] : memref<425984x32xf32, #tpu.memory_space<hbm>> -> memref<832x32xf32, #tpu.memory_space<hbm>>
      tpu.wait_dma2 semaphore(%run_scoped3A : memref<!tpu.dma_semaphore, #tpu.memory_space<semaphore_mem>>) src(%arg9 : memref<832x32xf32, #tpu.memory_space<vmem>>) dst(%dma_wait3A_243 : memref<832x32xf32, #tpu.memory_space<hbm>>)
      tpu.yield
    }) : () -> ()
    %dma_start3A_140 = arith.constant 6656 : i32
    %dma_start3A_141 = tpu.memref_slice %arg6[%dma_start3A_140] : memref<13312xi32, #tpu.memory_space<vmem>> -> memref<832xi32, #tpu.memory_space<vmem>>
    %dma_start3A_142 = arith.constant 0 : i32
    %dma_start3A_143 = arith.constant 0 : i32
    %dma_start3A_144 = tpu.memref_slice %arg4[%dma_start3A_142, %dma_start3A_143] : memref<2600000x32xf32, #tpu.memory_space<hbm>> -> memref<2600000x32xf32, #tpu.memory_space<hbm>>
    tpu.enqueue_indirect_dma source(%dma_start3A_144 : memref<2600000x32xf32, #tpu.memory_space<hbm>>) target(%arg8 : memref<832x32xf32, #tpu.memory_space<vmem>>) offsets(%dma_start3A_141 : memref<832xi32, #tpu.memory_space<vmem>>) semaphore(%arg10 : memref<!tpu.dma_semaphore, #tpu.memory_space<semaphore_mem>>)
    %dma_wait3A_145 = arith.constant 6656 : i32
    %dma_wait3A_146 = tpu.memref_slice %arg6[%dma_wait3A_145] : memref<13312xi32, #tpu.memory_space<vmem>> -> memref<832xi32, #tpu.memory_space<vmem>>
    %dma_wait3A_147 = arith.constant 0 : i32
    %dma_wait3A_148 = arith.constant 0 : i32
    %dma_wait3A_149 = tpu.memref_slice %arg4[%dma_wait3A_147, %dma_wait3A_148] : memref<2600000x32xf32, #tpu.memory_space<hbm>> -> memref<2600000x32xf32, #tpu.memory_space<hbm>>
    tpu.wait_indirect_dma semaphore(%arg10 : memref<!tpu.dma_semaphore, #tpu.memory_space<semaphore_mem>>) src(%dma_wait3A_149 : memref<2600000x32xf32, #tpu.memory_space<hbm>>) dst(%arg8 : memref<832x32xf32, #tpu.memory_space<vmem>>)
    %add3A_150 = arith.constant 6656 : i32
    %add3A_151 = arith.addi %mul3A_2, %add3A_150 : i32
    "tpu.region"() ({
      %run_scoped3A = tpu.sem_alloc : memref<!tpu.dma_semaphore, #tpu.memory_space<semaphore_mem>>
      %dma_start3A_236 = arith.constant 0 : i32
      %dma_start3A_237 = tpu.memref_slice %arg5[%add3A_151, %dma_start3A_236] : memref<425984x32xf32, #tpu.memory_space<hbm>> -> memref<832x32xf32, #tpu.memory_space<hbm>>
      %dma_start3A_238 = arith.constant 0 : i32
      %dma_start3A_239 = tpu.memref_slice %arg5[%add3A_151, %dma_start3A_238] : memref<425984x32xf32, #tpu.memory_space<hbm>> -> memref<832x32xf32, #tpu.memory_space<hbm>>
      tpu.enqueue_dma source(%arg8 : memref<832x32xf32, #tpu.memory_space<vmem>>) target(%dma_start3A_239 : memref<832x32xf32, #tpu.memory_space<hbm>>) target_semaphore(%run_scoped3A : memref<!tpu.dma_semaphore, #tpu.memory_space<semaphore_mem>>)
      %dma_wait3A_240 = arith.constant 0 : i32
      %dma_wait3A_241 = tpu.memref_slice %arg5[%add3A_151, %dma_wait3A_240] : memref<425984x32xf32, #tpu.memory_space<hbm>> -> memref<832x32xf32, #tpu.memory_space<hbm>>
      %dma_wait3A_242 = arith.constant 0 : i32
      %dma_wait3A_243 = tpu.memref_slice %arg5[%add3A_151, %dma_wait3A_242] : memref<425984x32xf32, #tpu.memory_space<hbm>> -> memref<832x32xf32, #tpu.memory_space<hbm>>
      tpu.wait_dma2 semaphore(%run_scoped3A : memref<!tpu.dma_semaphore, #tpu.memory_space<semaphore_mem>>) src(%arg8 : memref<832x32xf32, #tpu.memory_space<vmem>>) dst(%dma_wait3A_243 : memref<832x32xf32, #tpu.memory_space<hbm>>)
      tpu.yield
    }) : () -> ()
    %dma_start3A_152 = arith.constant 7488 : i32
    %dma_start3A_153 = tpu.memref_slice %arg6[%dma_start3A_152] : memref<13312xi32, #tpu.memory_space<vmem>> -> memref<832xi32, #tpu.memory_space<vmem>>
    %dma_start3A_154 = arith.constant 0 : i32
    %dma_start3A_155 = arith.constant 0 : i32
    %dma_start3A_156 = tpu.memref_slice %arg4[%dma_start3A_154, %dma_start3A_155] : memref<2600000x32xf32, #tpu.memory_space<hbm>> -> memref<2600000x32xf32, #tpu.memory_space<hbm>>
    tpu.enqueue_indirect_dma source(%dma_start3A_156 : memref<2600000x32xf32, #tpu.memory_space<hbm>>) target(%arg9 : memref<832x32xf32, #tpu.memory_space<vmem>>) offsets(%dma_start3A_153 : memref<832xi32, #tpu.memory_space<vmem>>) semaphore(%arg10 : memref<!tpu.dma_semaphore, #tpu.memory_space<semaphore_mem>>)
    %dma_wait3A_157 = arith.constant 7488 : i32
    %dma_wait3A_158 = tpu.memref_slice %arg6[%dma_wait3A_157] : memref<13312xi32, #tpu.memory_space<vmem>> -> memref<832xi32, #tpu.memory_space<vmem>>
    %dma_wait3A_159 = arith.constant 0 : i32
    %dma_wait3A_160 = arith.constant 0 : i32
    %dma_wait3A_161 = tpu.memref_slice %arg4[%dma_wait3A_159, %dma_wait3A_160] : memref<2600000x32xf32, #tpu.memory_space<hbm>> -> memref<2600000x32xf32, #tpu.memory_space<hbm>>
    tpu.wait_indirect_dma semaphore(%arg10 : memref<!tpu.dma_semaphore, #tpu.memory_space<semaphore_mem>>) src(%dma_wait3A_161 : memref<2600000x32xf32, #tpu.memory_space<hbm>>) dst(%arg9 : memref<832x32xf32, #tpu.memory_space<vmem>>)
    %add3A_162 = arith.constant 7488 : i32
    %add3A_163 = arith.addi %mul3A_2, %add3A_162 : i32
    "tpu.region"() ({
      %run_scoped3A = tpu.sem_alloc : memref<!tpu.dma_semaphore, #tpu.memory_space<semaphore_mem>>
      %dma_start3A_236 = arith.constant 0 : i32
      %dma_start3A_237 = tpu.memref_slice %arg5[%add3A_163, %dma_start3A_236] : memref<425984x32xf32, #tpu.memory_space<hbm>> -> memref<832x32xf32, #tpu.memory_space<hbm>>
      %dma_start3A_238 = arith.constant 0 : i32
      %dma_start3A_239 = tpu.memref_slice %arg5[%add3A_163, %dma_start3A_238] : memref<425984x32xf32, #tpu.memory_space<hbm>> -> memref<832x32xf32, #tpu.memory_space<hbm>>
      tpu.enqueue_dma source(%arg9 : memref<832x32xf32, #tpu.memory_space<vmem>>) target(%dma_start3A_239 : memref<832x32xf32, #tpu.memory_space<hbm>>) target_semaphore(%run_scoped3A : memref<!tpu.dma_semaphore, #tpu.memory_space<semaphore_mem>>)
      %dma_wait3A_240 = arith.constant 0 : i32
      %dma_wait3A_241 = tpu.memref_slice %arg5[%add3A_163, %dma_wait3A_240] : memref<425984x32xf32, #tpu.memory_space<hbm>> -> memref<832x32xf32, #tpu.memory_space<hbm>>
      %dma_wait3A_242 = arith.constant 0 : i32
      %dma_wait3A_243 = tpu.memref_slice %arg5[%add3A_163, %dma_wait3A_242] : memref<425984x32xf32, #tpu.memory_space<hbm>> -> memref<832x32xf32, #tpu.memory_space<hbm>>
      tpu.wait_dma2 semaphore(%run_scoped3A : memref<!tpu.dma_semaphore, #tpu.memory_space<semaphore_mem>>) src(%arg9 : memref<832x32xf32, #tpu.memory_space<vmem>>) dst(%dma_wait3A_243 : memref<832x32xf32, #tpu.memory_space<hbm>>)
      tpu.yield
    }) : () -> ()
    %dma_start3A_164 = arith.constant 8320 : i32
    %dma_start3A_165 = tpu.memref_slice %arg6[%dma_start3A_164] : memref<13312xi32, #tpu.memory_space<vmem>> -> memref<832xi32, #tpu.memory_space<vmem>>
    %dma_start3A_166 = arith.constant 0 : i32
    %dma_start3A_167 = arith.constant 0 : i32
    %dma_start3A_168 = tpu.memref_slice %arg4[%dma_start3A_166, %dma_start3A_167] : memref<2600000x32xf32, #tpu.memory_space<hbm>> -> memref<2600000x32xf32, #tpu.memory_space<hbm>>
    tpu.enqueue_indirect_dma source(%dma_start3A_168 : memref<2600000x32xf32, #tpu.memory_space<hbm>>) target(%arg8 : memref<832x32xf32, #tpu.memory_space<vmem>>) offsets(%dma_start3A_165 : memref<832xi32, #tpu.memory_space<vmem>>) semaphore(%arg10 : memref<!tpu.dma_semaphore, #tpu.memory_space<semaphore_mem>>)
    %dma_wait3A_169 = arith.constant 8320 : i32
    %dma_wait3A_170 = tpu.memref_slice %arg6[%dma_wait3A_169] : memref<13312xi32, #tpu.memory_space<vmem>> -> memref<832xi32, #tpu.memory_space<vmem>>
    %dma_wait3A_171 = arith.constant 0 : i32
    %dma_wait3A_172 = arith.constant 0 : i32
    %dma_wait3A_173 = tpu.memref_slice %arg4[%dma_wait3A_171, %dma_wait3A_172] : memref<2600000x32xf32, #tpu.memory_space<hbm>> -> memref<2600000x32xf32, #tpu.memory_space<hbm>>
    tpu.wait_indirect_dma semaphore(%arg10 : memref<!tpu.dma_semaphore, #tpu.memory_space<semaphore_mem>>) src(%dma_wait3A_173 : memref<2600000x32xf32, #tpu.memory_space<hbm>>) dst(%arg8 : memref<832x32xf32, #tpu.memory_space<vmem>>)
    %add3A_174 = arith.constant 8320 : i32
    %add3A_175 = arith.addi %mul3A_2, %add3A_174 : i32
    "tpu.region"() ({
      %run_scoped3A = tpu.sem_alloc : memref<!tpu.dma_semaphore, #tpu.memory_space<semaphore_mem>>
      %dma_start3A_236 = arith.constant 0 : i32
      %dma_start3A_237 = tpu.memref_slice %arg5[%add3A_175, %dma_start3A_236] : memref<425984x32xf32, #tpu.memory_space<hbm>> -> memref<832x32xf32, #tpu.memory_space<hbm>>
      %dma_start3A_238 = arith.constant 0 : i32
      %dma_start3A_239 = tpu.memref_slice %arg5[%add3A_175, %dma_start3A_238] : memref<425984x32xf32, #tpu.memory_space<hbm>> -> memref<832x32xf32, #tpu.memory_space<hbm>>
      tpu.enqueue_dma source(%arg8 : memref<832x32xf32, #tpu.memory_space<vmem>>) target(%dma_start3A_239 : memref<832x32xf32, #tpu.memory_space<hbm>>) target_semaphore(%run_scoped3A : memref<!tpu.dma_semaphore, #tpu.memory_space<semaphore_mem>>)
      %dma_wait3A_240 = arith.constant 0 : i32
      %dma_wait3A_241 = tpu.memref_slice %arg5[%add3A_175, %dma_wait3A_240] : memref<425984x32xf32, #tpu.memory_space<hbm>> -> memref<832x32xf32, #tpu.memory_space<hbm>>
      %dma_wait3A_242 = arith.constant 0 : i32
      %dma_wait3A_243 = tpu.memref_slice %arg5[%add3A_175, %dma_wait3A_242] : memref<425984x32xf32, #tpu.memory_space<hbm>> -> memref<832x32xf32, #tpu.memory_space<hbm>>
      tpu.wait_dma2 semaphore(%run_scoped3A : memref<!tpu.dma_semaphore, #tpu.memory_space<semaphore_mem>>) src(%arg8 : memref<832x32xf32, #tpu.memory_space<vmem>>) dst(%dma_wait3A_243 : memref<832x32xf32, #tpu.memory_space<hbm>>)
      tpu.yield
    }) : () -> ()
    %dma_start3A_176 = arith.constant 9152 : i32
    %dma_start3A_177 = tpu.memref_slice %arg6[%dma_start3A_176] : memref<13312xi32, #tpu.memory_space<vmem>> -> memref<832xi32, #tpu.memory_space<vmem>>
    %dma_start3A_178 = arith.constant 0 : i32
    %dma_start3A_179 = arith.constant 0 : i32
    %dma_start3A_180 = tpu.memref_slice %arg4[%dma_start3A_178, %dma_start3A_179] : memref<2600000x32xf32, #tpu.memory_space<hbm>> -> memref<2600000x32xf32, #tpu.memory_space<hbm>>
    tpu.enqueue_indirect_dma source(%dma_start3A_180 : memref<2600000x32xf32, #tpu.memory_space<hbm>>) target(%arg9 : memref<832x32xf32, #tpu.memory_space<vmem>>) offsets(%dma_start3A_177 : memref<832xi32, #tpu.memory_space<vmem>>) semaphore(%arg10 : memref<!tpu.dma_semaphore, #tpu.memory_space<semaphore_mem>>)
    %dma_wait3A_181 = arith.constant 9152 : i32
    %dma_wait3A_182 = tpu.memref_slice %arg6[%dma_wait3A_181] : memref<13312xi32, #tpu.memory_space<vmem>> -> memref<832xi32, #tpu.memory_space<vmem>>
    %dma_wait3A_183 = arith.constant 0 : i32
    %dma_wait3A_184 = arith.constant 0 : i32
    %dma_wait3A_185 = tpu.memref_slice %arg4[%dma_wait3A_183, %dma_wait3A_184] : memref<2600000x32xf32, #tpu.memory_space<hbm>> -> memref<2600000x32xf32, #tpu.memory_space<hbm>>
    tpu.wait_indirect_dma semaphore(%arg10 : memref<!tpu.dma_semaphore, #tpu.memory_space<semaphore_mem>>) src(%dma_wait3A_185 : memref<2600000x32xf32, #tpu.memory_space<hbm>>) dst(%arg9 : memref<832x32xf32, #tpu.memory_space<vmem>>)
    %add3A_186 = arith.constant 9152 : i32
    %add3A_187 = arith.addi %mul3A_2, %add3A_186 : i32
    "tpu.region"() ({
      %run_scoped3A = tpu.sem_alloc : memref<!tpu.dma_semaphore, #tpu.memory_space<semaphore_mem>>
      %dma_start3A_236 = arith.constant 0 : i32
      %dma_start3A_237 = tpu.memref_slice %arg5[%add3A_187, %dma_start3A_236] : memref<425984x32xf32, #tpu.memory_space<hbm>> -> memref<832x32xf32, #tpu.memory_space<hbm>>
      %dma_start3A_238 = arith.constant 0 : i32
      %dma_start3A_239 = tpu.memref_slice %arg5[%add3A_187, %dma_start3A_238] : memref<425984x32xf32, #tpu.memory_space<hbm>> -> memref<832x32xf32, #tpu.memory_space<hbm>>
      tpu.enqueue_dma source(%arg9 : memref<832x32xf32, #tpu.memory_space<vmem>>) target(%dma_start3A_239 : memref<832x32xf32, #tpu.memory_space<hbm>>) target_semaphore(%run_scoped3A : memref<!tpu.dma_semaphore, #tpu.memory_space<semaphore_mem>>)
      %dma_wait3A_240 = arith.constant 0 : i32
      %dma_wait3A_241 = tpu.memref_slice %arg5[%add3A_187, %dma_wait3A_240] : memref<425984x32xf32, #tpu.memory_space<hbm>> -> memref<832x32xf32, #tpu.memory_space<hbm>>
      %dma_wait3A_242 = arith.constant 0 : i32
      %dma_wait3A_243 = tpu.memref_slice %arg5[%add3A_187, %dma_wait3A_242] : memref<425984x32xf32, #tpu.memory_space<hbm>> -> memref<832x32xf32, #tpu.memory_space<hbm>>
      tpu.wait_dma2 semaphore(%run_scoped3A : memref<!tpu.dma_semaphore, #tpu.memory_space<semaphore_mem>>) src(%arg9 : memref<832x32xf32, #tpu.memory_space<vmem>>) dst(%dma_wait3A_243 : memref<832x32xf32, #tpu.memory_space<hbm>>)
      tpu.yield
    }) : () -> ()
    %dma_start3A_188 = arith.constant 9984 : i32
    %dma_start3A_189 = tpu.memref_slice %arg6[%dma_start3A_188] : memref<13312xi32, #tpu.memory_space<vmem>> -> memref<832xi32, #tpu.memory_space<vmem>>
    %dma_start3A_190 = arith.constant 0 : i32
    %dma_start3A_191 = arith.constant 0 : i32
    %dma_start3A_192 = tpu.memref_slice %arg4[%dma_start3A_190, %dma_start3A_191] : memref<2600000x32xf32, #tpu.memory_space<hbm>> -> memref<2600000x32xf32, #tpu.memory_space<hbm>>
    tpu.enqueue_indirect_dma source(%dma_start3A_192 : memref<2600000x32xf32, #tpu.memory_space<hbm>>) target(%arg8 : memref<832x32xf32, #tpu.memory_space<vmem>>) offsets(%dma_start3A_189 : memref<832xi32, #tpu.memory_space<vmem>>) semaphore(%arg10 : memref<!tpu.dma_semaphore, #tpu.memory_space<semaphore_mem>>)
    %dma_wait3A_193 = arith.constant 9984 : i32
    %dma_wait3A_194 = tpu.memref_slice %arg6[%dma_wait3A_193] : memref<13312xi32, #tpu.memory_space<vmem>> -> memref<832xi32, #tpu.memory_space<vmem>>
    %dma_wait3A_195 = arith.constant 0 : i32
    %dma_wait3A_196 = arith.constant 0 : i32
    %dma_wait3A_197 = tpu.memref_slice %arg4[%dma_wait3A_195, %dma_wait3A_196] : memref<2600000x32xf32, #tpu.memory_space<hbm>> -> memref<2600000x32xf32, #tpu.memory_space<hbm>>
    tpu.wait_indirect_dma semaphore(%arg10 : memref<!tpu.dma_semaphore, #tpu.memory_space<semaphore_mem>>) src(%dma_wait3A_197 : memref<2600000x32xf32, #tpu.memory_space<hbm>>) dst(%arg8 : memref<832x32xf32, #tpu.memory_space<vmem>>)
    %add3A_198 = arith.constant 9984 : i32
    %add3A_199 = arith.addi %mul3A_2, %add3A_198 : i32
    "tpu.region"() ({
      %run_scoped3A = tpu.sem_alloc : memref<!tpu.dma_semaphore, #tpu.memory_space<semaphore_mem>>
      %dma_start3A_236 = arith.constant 0 : i32
      %dma_start3A_237 = tpu.memref_slice %arg5[%add3A_199, %dma_start3A_236] : memref<425984x32xf32, #tpu.memory_space<hbm>> -> memref<832x32xf32, #tpu.memory_space<hbm>>
      %dma_start3A_238 = arith.constant 0 : i32
      %dma_start3A_239 = tpu.memref_slice %arg5[%add3A_199, %dma_start3A_238] : memref<425984x32xf32, #tpu.memory_space<hbm>> -> memref<832x32xf32, #tpu.memory_space<hbm>>
      tpu.enqueue_dma source(%arg8 : memref<832x32xf32, #tpu.memory_space<vmem>>) target(%dma_start3A_239 : memref<832x32xf32, #tpu.memory_space<hbm>>) target_semaphore(%run_scoped3A : memref<!tpu.dma_semaphore, #tpu.memory_space<semaphore_mem>>)
      %dma_wait3A_240 = arith.constant 0 : i32
      %dma_wait3A_241 = tpu.memref_slice %arg5[%add3A_199, %dma_wait3A_240] : memref<425984x32xf32, #tpu.memory_space<hbm>> -> memref<832x32xf32, #tpu.memory_space<hbm>>
      %dma_wait3A_242 = arith.constant 0 : i32
      %dma_wait3A_243 = tpu.memref_slice %arg5[%add3A_199, %dma_wait3A_242] : memref<425984x32xf32, #tpu.memory_space<hbm>> -> memref<832x32xf32, #tpu.memory_space<hbm>>
      tpu.wait_dma2 semaphore(%run_scoped3A : memref<!tpu.dma_semaphore, #tpu.memory_space<semaphore_mem>>) src(%arg8 : memref<832x32xf32, #tpu.memory_space<vmem>>) dst(%dma_wait3A_243 : memref<832x32xf32, #tpu.memory_space<hbm>>)
      tpu.yield
    }) : () -> ()
    %dma_start3A_200 = arith.constant 10816 : i32
    %dma_start3A_201 = tpu.memref_slice %arg6[%dma_start3A_200] : memref<13312xi32, #tpu.memory_space<vmem>> -> memref<832xi32, #tpu.memory_space<vmem>>
    %dma_start3A_202 = arith.constant 0 : i32
    %dma_start3A_203 = arith.constant 0 : i32
    %dma_start3A_204 = tpu.memref_slice %arg4[%dma_start3A_202, %dma_start3A_203] : memref<2600000x32xf32, #tpu.memory_space<hbm>> -> memref<2600000x32xf32, #tpu.memory_space<hbm>>
    tpu.enqueue_indirect_dma source(%dma_start3A_204 : memref<2600000x32xf32, #tpu.memory_space<hbm>>) target(%arg9 : memref<832x32xf32, #tpu.memory_space<vmem>>) offsets(%dma_start3A_201 : memref<832xi32, #tpu.memory_space<vmem>>) semaphore(%arg10 : memref<!tpu.dma_semaphore, #tpu.memory_space<semaphore_mem>>)
    %dma_wait3A_205 = arith.constant 10816 : i32
    %dma_wait3A_206 = tpu.memref_slice %arg6[%dma_wait3A_205] : memref<13312xi32, #tpu.memory_space<vmem>> -> memref<832xi32, #tpu.memory_space<vmem>>
    %dma_wait3A_207 = arith.constant 0 : i32
    %dma_wait3A_208 = arith.constant 0 : i32
    %dma_wait3A_209 = tpu.memref_slice %arg4[%dma_wait3A_207, %dma_wait3A_208] : memref<2600000x32xf32, #tpu.memory_space<hbm>> -> memref<2600000x32xf32, #tpu.memory_space<hbm>>
    tpu.wait_indirect_dma semaphore(%arg10 : memref<!tpu.dma_semaphore, #tpu.memory_space<semaphore_mem>>) src(%dma_wait3A_209 : memref<2600000x32xf32, #tpu.memory_space<hbm>>) dst(%arg9 : memref<832x32xf32, #tpu.memory_space<vmem>>)
    %add3A_210 = arith.constant 10816 : i32
    %add3A_211 = arith.addi %mul3A_2, %add3A_210 : i32
    "tpu.region"() ({
      %run_scoped3A = tpu.sem_alloc : memref<!tpu.dma_semaphore, #tpu.memory_space<semaphore_mem>>
      %dma_start3A_236 = arith.constant 0 : i32
      %dma_start3A_237 = tpu.memref_slice %arg5[%add3A_211, %dma_start3A_236] : memref<425984x32xf32, #tpu.memory_space<hbm>> -> memref<832x32xf32, #tpu.memory_space<hbm>>
      %dma_start3A_238 = arith.constant 0 : i32
      %dma_start3A_239 = tpu.memref_slice %arg5[%add3A_211, %dma_start3A_238] : memref<425984x32xf32, #tpu.memory_space<hbm>> -> memref<832x32xf32, #tpu.memory_space<hbm>>
      tpu.enqueue_dma source(%arg9 : memref<832x32xf32, #tpu.memory_space<vmem>>) target(%dma_start3A_239 : memref<832x32xf32, #tpu.memory_space<hbm>>) target_semaphore(%run_scoped3A : memref<!tpu.dma_semaphore, #tpu.memory_space<semaphore_mem>>)
      %dma_wait3A_240 = arith.constant 0 : i32
      %dma_wait3A_241 = tpu.memref_slice %arg5[%add3A_211, %dma_wait3A_240] : memref<425984x32xf32, #tpu.memory_space<hbm>> -> memref<832x32xf32, #tpu.memory_space<hbm>>
      %dma_wait3A_242 = arith.constant 0 : i32
      %dma_wait3A_243 = tpu.memref_slice %arg5[%add3A_211, %dma_wait3A_242] : memref<425984x32xf32, #tpu.memory_space<hbm>> -> memref<832x32xf32, #tpu.memory_space<hbm>>
      tpu.wait_dma2 semaphore(%run_scoped3A : memref<!tpu.dma_semaphore, #tpu.memory_space<semaphore_mem>>) src(%arg9 : memref<832x32xf32, #tpu.memory_space<vmem>>) dst(%dma_wait3A_243 : memref<832x32xf32, #tpu.memory_space<hbm>>)
      tpu.yield
    }) : () -> ()
    %dma_start3A_212 = arith.constant 11648 : i32
    %dma_start3A_213 = tpu.memref_slice %arg6[%dma_start3A_212] : memref<13312xi32, #tpu.memory_space<vmem>> -> memref<832xi32, #tpu.memory_space<vmem>>
    %dma_start3A_214 = arith.constant 0 : i32
    %dma_start3A_215 = arith.constant 0 : i32
    %dma_start3A_216 = tpu.memref_slice %arg4[%dma_start3A_214, %dma_start3A_215] : memref<2600000x32xf32, #tpu.memory_space<hbm>> -> memref<2600000x32xf32, #tpu.memory_space<hbm>>
    tpu.enqueue_indirect_dma source(%dma_start3A_216 : memref<2600000x32xf32, #tpu.memory_space<hbm>>) target(%arg8 : memref<832x32xf32, #tpu.memory_space<vmem>>) offsets(%dma_start3A_213 : memref<832xi32, #tpu.memory_space<vmem>>) semaphore(%arg10 : memref<!tpu.dma_semaphore, #tpu.memory_space<semaphore_mem>>)
    %dma_wait3A_217 = arith.constant 11648 : i32
    %dma_wait3A_218 = tpu.memref_slice %arg6[%dma_wait3A_217] : memref<13312xi32, #tpu.memory_space<vmem>> -> memref<832xi32, #tpu.memory_space<vmem>>
    %dma_wait3A_219 = arith.constant 0 : i32
    %dma_wait3A_220 = arith.constant 0 : i32
    %dma_wait3A_221 = tpu.memref_slice %arg4[%dma_wait3A_219, %dma_wait3A_220] : memref<2600000x32xf32, #tpu.memory_space<hbm>> -> memref<2600000x32xf32, #tpu.memory_space<hbm>>
    tpu.wait_indirect_dma semaphore(%arg10 : memref<!tpu.dma_semaphore, #tpu.memory_space<semaphore_mem>>) src(%dma_wait3A_221 : memref<2600000x32xf32, #tpu.memory_space<hbm>>) dst(%arg8 : memref<832x32xf32, #tpu.memory_space<vmem>>)
    %add3A_222 = arith.constant 11648 : i32
    %add3A_223 = arith.addi %mul3A_2, %add3A_222 : i32
    "tpu.region"() ({
      %run_scoped3A = tpu.sem_alloc : memref<!tpu.dma_semaphore, #tpu.memory_space<semaphore_mem>>
      %dma_start3A_236 = arith.constant 0 : i32
      %dma_start3A_237 = tpu.memref_slice %arg5[%add3A_223, %dma_start3A_236] : memref<425984x32xf32, #tpu.memory_space<hbm>> -> memref<832x32xf32, #tpu.memory_space<hbm>>
      %dma_start3A_238 = arith.constant 0 : i32
      %dma_start3A_239 = tpu.memref_slice %arg5[%add3A_223, %dma_start3A_238] : memref<425984x32xf32, #tpu.memory_space<hbm>> -> memref<832x32xf32, #tpu.memory_space<hbm>>
      tpu.enqueue_dma source(%arg8 : memref<832x32xf32, #tpu.memory_space<vmem>>) target(%dma_start3A_239 : memref<832x32xf32, #tpu.memory_space<hbm>>) target_semaphore(%run_scoped3A : memref<!tpu.dma_semaphore, #tpu.memory_space<semaphore_mem>>)
      %dma_wait3A_240 = arith.constant 0 : i32
      %dma_wait3A_241 = tpu.memref_slice %arg5[%add3A_223, %dma_wait3A_240] : memref<425984x32xf32, #tpu.memory_space<hbm>> -> memref<832x32xf32, #tpu.memory_space<hbm>>
      %dma_wait3A_242 = arith.constant 0 : i32
      %dma_wait3A_243 = tpu.memref_slice %arg5[%add3A_223, %dma_wait3A_242] : memref<425984x32xf32, #tpu.memory_space<hbm>> -> memref<832x32xf32, #tpu.memory_space<hbm>>
      tpu.wait_dma2 semaphore(%run_scoped3A : memref<!tpu.dma_semaphore, #tpu.memory_space<semaphore_mem>>) src(%arg8 : memref<832x32xf32, #tpu.memory_space<vmem>>) dst(%dma_wait3A_243 : memref<832x32xf32, #tpu.memory_space<hbm>>)
      tpu.yield
    }) : () -> ()
    %dma_start3A_224 = arith.constant 12480 : i32
    %dma_start3A_225 = tpu.memref_slice %arg6[%dma_start3A_224] : memref<13312xi32, #tpu.memory_space<vmem>> -> memref<832xi32, #tpu.memory_space<vmem>>
    %dma_start3A_226 = arith.constant 0 : i32
    %dma_start3A_227 = arith.constant 0 : i32
    %dma_start3A_228 = tpu.memref_slice %arg4[%dma_start3A_226, %dma_start3A_227] : memref<2600000x32xf32, #tpu.memory_space<hbm>> -> memref<2600000x32xf32, #tpu.memory_space<hbm>>
    tpu.enqueue_indirect_dma source(%dma_start3A_228 : memref<2600000x32xf32, #tpu.memory_space<hbm>>) target(%arg9 : memref<832x32xf32, #tpu.memory_space<vmem>>) offsets(%dma_start3A_225 : memref<832xi32, #tpu.memory_space<vmem>>) semaphore(%arg10 : memref<!tpu.dma_semaphore, #tpu.memory_space<semaphore_mem>>)
    %dma_wait3A_229 = arith.constant 12480 : i32
    %dma_wait3A_230 = tpu.memref_slice %arg6[%dma_wait3A_229] : memref<13312xi32, #tpu.memory_space<vmem>> -> memref<832xi32, #tpu.memory_space<vmem>>
    %dma_wait3A_231 = arith.constant 0 : i32
    %dma_wait3A_232 = arith.constant 0 : i32
    %dma_wait3A_233 = tpu.memref_slice %arg4[%dma_wait3A_231, %dma_wait3A_232] : memref<2600000x32xf32, #tpu.memory_space<hbm>> -> memref<2600000x32xf32, #tpu.memory_space<hbm>>
    tpu.wait_indirect_dma semaphore(%arg10 : memref<!tpu.dma_semaphore, #tpu.memory_space<semaphore_mem>>) src(%dma_wait3A_233 : memref<2600000x32xf32, #tpu.memory_space<hbm>>) dst(%arg9 : memref<832x32xf32, #tpu.memory_space<vmem>>)
    %add3A_234 = arith.constant 12480 : i32
    %add3A_235 = arith.addi %mul3A_2, %add3A_234 : i32
    "tpu.region"() ({
      %run_scoped3A = tpu.sem_alloc : memref<!tpu.dma_semaphore, #tpu.memory_space<semaphore_mem>>
      %dma_start3A_236 = arith.constant 0 : i32
      %dma_start3A_237 = tpu.memref_slice %arg5[%add3A_235, %dma_start3A_236] : memref<425984x32xf32, #tpu.memory_space<hbm>> -> memref<832x32xf32, #tpu.memory_space<hbm>>
      %dma_start3A_238 = arith.constant 0 : i32
      %dma_start3A_239 = tpu.memref_slice %arg5[%add3A_235, %dma_start3A_238] : memref<425984x32xf32, #tpu.memory_space<hbm>> -> memref<832x32xf32, #tpu.memory_space<hbm>>
      tpu.enqueue_dma source(%arg9 : memref<832x32xf32, #tpu.memory_space<vmem>>) target(%dma_start3A_239 : memref<832x32xf32, #tpu.memory_space<hbm>>) target_semaphore(%run_scoped3A : memref<!tpu.dma_semaphore, #tpu.memory_space<semaphore_mem>>)
      %dma_wait3A_240 = arith.constant 0 : i32
      %dma_wait3A_241 = tpu.memref_slice %arg5[%add3A_235, %dma_wait3A_240] : memref<425984x32xf32, #tpu.memory_space<hbm>> -> memref<832x32xf32, #tpu.memory_space<hbm>>
      %dma_wait3A_242 = arith.constant 0 : i32
      %dma_wait3A_243 = tpu.memref_slice %arg5[%add3A_235, %dma_wait3A_242] : memref<425984x32xf32, #tpu.memory_space<hbm>> -> memref<832x32xf32, #tpu.memory_space<hbm>>
      tpu.wait_dma2 semaphore(%run_scoped3A : memref<!tpu.dma_semaphore, #tpu.memory_space<semaphore_mem>>) src(%arg9 : memref<832x32xf32, #tpu.memory_space<vmem>>) dst(%dma_wait3A_243 : memref<832x32xf32, #tpu.memory_space<hbm>>)
      tpu.yield
    }) : () -> ()
    return
  }
}

</mosaic_0001>

<sc_bundles>
// kernel: _run.3.cloned.1.call-start
scs
__scs_entry_jumppad:
0x0: {  	(pc) =	sbr.rel $0x88, $3  }
0x1: {  	(tag) =	ssettag $0x0;
	lr =	simm.s32 $0x1  }
0x2: {  	[smem:$0x3F9E] =	sst lr;
	_ =	strace $0xD0000000  }
0x3: {  	_ = 	snop  }
0x4: {  	_ = 	snop  }
0x5: {  	_ = 	snop  }
0x6: {  	_ = 	snop  }
0x7: {  	_ = 	snop  }
__scs_overlays_trampoline_lowered:
0x8: {  	[smem:$0x3FAD] =	sst s0  }
0x9: {  	[smem:$0x3FAE] =	sst s1  }
0xa: {  	[smem:$0x3FAF] =	sst s2  }
0xb: {  	[smem:$0x3FB0] =	sst s3  }
0xc: {  	[smem:$0x3FB1] =	sst s4  }
0xd: {  	[smem:$0x3FB2] =	sst s5  }
0xe: {  	[smem:$0x3FB3] =	sst s6  }
0xf: {  	[smem:$0x3FB4] =	sst s7  }
0x10: {  	[smem:$0x3FB5] =	sst s8  }
0x11: {  	[smem:$0x3FB6] =	sst s9;
	s0 =	simm.s32 @!p0 $0x0  }
0x12: {  	s1 =	sld [smem:$0x3F9C];
	s0 =	simm.s32 @p0 $0x1  }
0x13: {  	[smem:$0x3FB7] =	sst s0;
	s0 =	simm.s32 @!p1 $0x0  }
0x14: {  	s2 =	sld [smem:$0x3F9B];
	s0 =	simm.s32 @p1 $0x1  }
0x15: {  	[smem:$0x3FB8] =	sst s0;
	s0 =	simm.s32 @!p2 $0x0  }
0x16: {  	s3 =	sld [smem:$0x3FDB];
	s0 =	simm.s32 @p2 $0x1  }
0x17: {  	s4 =	simm.s32 $0x1BF5;
	[smem:$0x3FBA] =	sst s0  }
0x18: {  	s0 =	sld [smem:$0x3F9D];
	_ =	swait.ge [sflag:s4], $0x0  }
0x19: {  	s7 =	sld [smem:$0x3F9E]  }
0x1a: {  	s8 =	sadd.s32 $0xFFFFE003, lr  }
0x1b: {  	s9 =	sadd.s32 $0xFFFFFEF7, lr;
	s5 =	simm.s32 $0xFFFFFFFF;
	p2 =	slt.u32 s8, $0xFFFFF086  }
0x1c: {  	p1 =	slt.u32 s9, $0xF7A;
	s5 =	simm.s32 @!p2 $0x0  }
0x1d: {  	s5 =	simm.s32 @p1 $0x1;
	p0 =	seq.s32 s7, s2  }
0x1e: {  	s7 =	smul.u32 @!p0 $0xF7A, s2;
	p2 =	seq.s32 @!p0 s5, $0x0  }
0x1f: {  	s9 =	smul.u32 $0xF7A, s1;
	s8 =	simm.s32 @!p0 $0x1BF5;
	p2 =	por !p2, p0  }
0x20: {  	[sflag:s8] =	ssyncset.s32 @!p0 $0xFFFFF086;
	s6 =	sadd.s32 @!p0 s3, s7;
	s7 =	simm.s32 @!p0 $0x108  }
0x21: {  	s3 =	sadd.s32 s3, s9;
	s6 =	sadd.s32 @!p0 $0x88, s6;
	s7 =	simm.s32 @p2 $0x1082  }
0x22: {  	[simem:s7], [sflag:s8] =	dma.local @!p0 [hbm:s6], $0xF7A  }
0x23: {  	s9 =	sor.u32 $0xD0000000, s2;
	s6 =	simm.s32 $0x108;
	_ =	swait.ge @!p0 [sflag:s8], $0x0  }
0x24: {  	s3 =	sadd.s32 $0x88, s3;
	s6 =	simm.s32 @!p1 $0x1082;
	[sflag:s4] =	ssyncset.s32 $0xFFFFF086  }
0x25: {  	[simem:s6], [sflag:s4] =	dma.local [hbm:s3], $0xF7A  }
0x26: {  	[smem:$0x3F9E] =	sst s1;
	(tag) =	ssettag s2;
	_ =	strace s9  }
0x27: {  	s1 =	sld [smem:$0x3FAE]  }
0x28: {  	s2 =	sld [smem:$0x3FAF]  }
0x29: {  	s4 =	sld [smem:$0x3FB1]  }
0x2a: {  	p0 =	seq.s32 s5, $0x0;
	s5 =	sld [smem:$0x3FB2]  }
0x2b: {  	s6 =	sld [smem:$0x3FB3]  }
0x2c: {  	s7 =	sld [smem:$0x3FB4]  }
0x2d: {  	s3 =	simm.s32 $0x108;
	s8 =	sld [smem:$0x3FB5]  }
0x2e: {  	s3 =	simm.s32 @!p0 $0x1082;
	s9 =	sld [smem:$0x3FB6]  }
0x2f: {  	lr =	sadd.s32 s0, s3;
	s0 =	sld [smem:$0x3FAD]  }
0x30: {  	s3 =	sld [smem:$0x3FB0]  }
0x31: {  	[smem:$0x3FB9] =	sst s10  }
0x32: {  	s10 =	sld [smem:$0x3FB7];
	_ =	sdelay $0x3  }
0x33: {  	p0 =	seq.s32 s10, $0x1;
	s10 =	sld [smem:$0x3FB9];
	_ =	sdelay $0x3  }
0x34: {  	[smem:$0x3FB9] =	sst s10  }
0x35: {  	s10 =	sld [smem:$0x3FB8];
	_ =	sdelay $0x3  }
0x36: {  	p1 =	seq.s32 s10, $0x1;
	s10 =	sld [smem:$0x3FB9];
	_ =	sdelay $0x3  }
0x37: {  	[smem:$0x3FB9] =	sst s10  }
0x38: {  	s10 =	sld [smem:$0x3FBA]  }
0x39: {  	_ = 	snop;
	(pc) =	sbr.ind lr, $3  }
0x3a: {  	_ = 	snop  }
0x3b: {  	_ = 	snop  }
0x3c: {  	p2 =	seq.s32 s10, $0x1;
	s10 =	sld [smem:$0x3FB9]  }
0x3d: {  	_ =	shalt  }
0x3e: {  	_ =	shalt  }
0x3f: {  	_ =	shalt  }
0x40: {  	_ =	shalt  }
0x41: {  	_ =	shalt  }
0x42: {  	_ =	shalt  }
0x43: {  	_ =	shalt  }
0x44: {  	_ =	shalt  }
0x45: {  	_ =	shalt  }
0x46: {  	_ =	shalt  }
0x47: {  	_ =	shalt  }
0x48: {  	_ =	shalt  }
0x49: {  	_ =	shalt  }
0x4a: {  	_ =	shalt  }
0x4b: {  	_ =	shalt  }
0x4c: {  	_ =	shalt  }
0x4d: {  	_ =	shalt  }
0x4e: {  	_ =	shalt  }
0x4f: {  	_ =	shalt  }
0x50: {  	_ =	shalt  }
0x51: {  	_ =	shalt  }
0x52: {  	_ =	shalt  }
0x53: {  	_ =	shalt  }
0x54: {  	_ =	shalt  }
0x55: {  	_ =	shalt  }
0x56: {  	_ =	shalt  }
0x57: {  	_ =	shalt  }
0x58: {  	_ =	shalt  }
0x59: {  	_ =	shalt  }
0x5a: {  	_ =	shalt  }
0x5b: {  	_ =	shalt  }
0x5c: {  	_ =	shalt  }
0x5d: {  	_ =	shalt  }
0x5e: {  	_ =	shalt  }
0x5f: {  	_ =	shalt  }
0x60: {  	_ =	shalt  }
0x61: {  	_ =	shalt  }
0x62: {  	_ =	shalt  }
0x63: {  	_ =	shalt  }
0x64: {  	_ =	shalt  }
0x65: {  	_ =	shalt  }
0x66: {  	_ =	shalt  }
0x67: {  	_ =	shalt  }
0x68: {  	_ =	shalt  }
0x69: {  	_ =	shalt  }
0x6a: {  	_ =	shalt  }
0x6b: {  	_ =	shalt  }
0x6c: {  	_ =	shalt  }
0x6d: {  	_ =	shalt  }
0x6e: {  	_ =	shalt  }
0x6f: {  	_ =	shalt  }
0x70: {  	_ =	shalt  }
0x71: {  	_ =	shalt  }
0x72: {  	_ =	shalt  }
0x73: {  	_ =	shalt  }
0x74: {  	_ =	shalt  }
0x75: {  	_ =	shalt  }
0x76: {  	_ =	shalt  }
0x77: {  	_ =	shalt  }
0x78: {  	_ =	shalt  }
0x79: {  	_ =	shalt  }
0x7a: {  	_ =	shalt  }
0x7b: {  	_ =	shalt  }
0x7c: {  	_ =	shalt  }
0x7d: {  	_ =	shalt  }
0x7e: {  	_ =	shalt  }
0x7f: {  	_ =	shalt  }
0x80: {  	_ =	shalt  }
0x81: {  	_ =	shalt  }
0x82: {  	_ =	shalt  }
0x83: {  	_ =	shalt  }
0x84: {  	_ =	shalt  }
0x85: {  	_ =	shalt  }
0x86: {  	_ =	shalt  }
0x87: {  	_ =	shalt  }
.Lfunc_end0:
.L_simem_size_0:
called_computation.1_lowered:
.L_overlay_start_0:
0x88: {  	s2 =	sld [smem:$0x3FD9]  }
0x89: {  	s3 =	sld [smem:$0x3FFE];
	_ =	sdelay $0x1  }
0x8a: {  	s1 =	srdreg.scid  }
0x8b: {  	s0 =	sand.u32 $0x1, s1  }
0x8c: {  	s17 =	sshll.u32 s0, $0xA;
	s2 =	sadd.s32 s3, s2  }
0x8d: {  	s2 =	sadd.s32 s2, s17  }
0x8e: {  	[smem:$0x3FC5] =	sst s2  }
0x8f: {  	_ = 	snop  }
0x90: {  	s2 =	sld [smem:$0x3FC9]  }
0x91: {  	s18 =	sld [smem:$0x3FC8]  }
0x92: {  	s4 =	sld [smem:$0x3FD0];
	(tm) =	ssettm $0x1  }
0x93: {  	s5 =	sld [smem:$0x3FFB];
	_ =	sdelay $0x3  }
0x94: {  	_ =	strace s5  }
0x95: {  	s5 =	sld [smem:$0x3FFC];
	_ =	sdelay $0x3  }
0x96: {  	_ =	strace s5  }
0x97: {  	s5 =	sld [smem:$0x3FFD];
	_ =	sdelay $0x3  }
0x98: {  	_ =	strace s5  }
0x99: {  	_ =	strace $0x8FFFFFFF  }
0x9a: {  	s19 =	sld [smem:$0x3FDB];
	_ =	sdelay $0x1  }
0x9b: {  	s6 =	simm.s32 $_scs_section_size  }
0x9c: {  	s7 =	simm.s32 $_size__tile_overlayer_lowered;
	s8 =	simm.s32 $_tile_overlayer_lowered  }
0x9d: {  	s22 =	simm.s32 $0x1BFF;
	s21 =	sshll.u32 s8, $0x1;
	s5 =	sadd.s32 s6, s19  }
0x9e: {  	s9 =	simm.s32 $0x0;
	s20 =	sshll.u32 s7, $0x1;
	s7 =	sadd.s32 s21, s5  }
0x9f: {  	[timem:s9], [sflag:s22] =	dma.local [hbm:s7], s20  }
0xa0: {  	_ =	swait.ge [sflag:s22], s20  }
0xa1: {  	s6 =	ssub.s32 $0x0, s20;
	[sflag:s22] =	ssyncset.done $0x0  }
0xa2: {  	[sflag:s22] =	ssyncadd.s32 s6;
	_ =	sdelay $0x1  }
0xa3: {  	s23 =	simm.s32 $0x1B8B  }
0xa4: {  	_ =	swait.ge [sflag:s23], $0x1  }
0xa5: {  	[sflag:s23] =	ssyncset.done $0x0  }
0xa6: {  	s25 =	simm.s32 $0x1B8E;
	s24 =	sld [smem:$0x3FFE];
	[sflag:s23] =	ssyncadd.s32 $0xFFFFFFFF  }
0xa7: {  	s26 =	simm.s32 $execute0_lowered;
	[smem:$0x3FD2] =	sst s25  }
0xa8: {  	s7 =	sshll.u32 s26, $0x1;
	_ =	strace $0x80000046;
	[dreg:$0x1] =	wrdreg $0xFFFFFFFF  }
0xa9: {  	s28 =	simm.s32 $_size_execute0_lowered;
	s5 =	sadd.s32 s5, s7;
	[dreg:$0x0] =	wrdreg $0x0  }
0xaa: {  	s7 =	sshll.u32 s28, $0x1;
	[dreg:$0x2] =	wrdreg s5  }
0xab: {  	[dreg:$0x3] =	wrdreg s7  }
0xac: {  	[dreg:$0x4] =	wrdreg $0xC0  }
0xad: {  	_ =	task [dreg:s9], $0x5FFFF  }
0xae: {  	[dreg:$0x1] =	wrdreg $0xFFFFFFFF  }
0xaf: {  	[dreg:$0x0] =	wrdreg $0x60  }
0xb0: {  	[dreg:$0x2] =	wrdreg s2  }
0xb1: {  	[dreg:$0x3] =	wrdreg s18  }
0xb2: {  	[dreg:$0x4] =	wrdreg s24  }
0xb3: {  	[dreg:$0x5] =	wrdreg s4  }
0xb4: {  	[dreg:$0x6] =	wrdreg $0x9  }
0xb5: {  	_ =	task.clear_ibuf [dreg:s9], $0x7FFFF;
	_ =	strace $0x90000046  }
0xb6: {  	s29 =	simm.s32 $0x9;
	_ =	strace $0x80000048  }
0xb7: {  	_ =	swait.ge [sflag:s29], $0x1  }
0xb8: {  	[sflag:s29] =	ssyncadd.s32 $0xFFFFFFFF  }
0xb9: {  	_ =	strace $0x90000048  }
0xba: {  	_ =	sfence  }
0xbb: {  	s30 =	sld [smem:$0x0];
	_ =	sdelay $0x2  }
0xbc: {  	s31 =	sshll.u32 s1, $0xD;
	s1 =	sshrl.u32 s1, $0x2  }
0xbd: {  	s3 =	sand.u32 $0x4000, s31;
	s1 =	sadd.s32 s1, s30  }
0xbe: {  	s0 =	sor.u32 s3, s0;
	s1 =	sshll.u32 s1, $0x11  }
0xbf: {  	s0 =	sor.u32 s1, s0  }
0xc0: {  	s0 =	sadd.s32 $0x8F2B, s0  }
0xc1: {  	[sflag:s0] =	ssyncadd.remote.s32 $0x1  }
0xc2: {  	_ =	sfence.sel $0xFFFF  }
0xc3: {  	[dreg:$0x0] =	wrdreg $0xFFFFFFFF;
	(pc) =	sbr.abs _section_cstart, $3  }
0xc4: {  	[dreg:$0x1] =	wrdreg $0xFFFFFFFF  }
0xc5: {  	_ =	task.clear_ibuf [dreg:s9], $0x2FFFF;
	_ =	strace $0x9FFFFFFF  }
0xc6: {  	(tm) =	ssettm $0x7FFFFFFF  }
0xc7: {  	_ =	shalt  }
tec
execute0_lowered:
.L_overlay_start_1:
0x0: {  	(tag) =	ssettag $0x1  }
0x1: {  	s0 =	rddreg [dreg:$0x0]  }
0x2: {  	s1 =	rddreg [dreg:$0x2]  }
0x3: {  	s2 =	srdreg.scid;
	s3 =	stileid.u32  }
0x4: {  	s8 =	rddreg [dreg:$0x3];
	s23 =	simm.s32 $0x2;
	s28 =	simm.s32 $0x1  }
0x5: {  	s29 =	simm.s32 $0x9CD0;
	s2 =	sand.u32 $0x1, s2;
	s4 =	sshll.u32 s3, $0x1  }
0x6: {  	s30 =	simm.s32 $0x2D80;
	s3 =	simm.s32 $0x0;
	s5 =	sor.u32 s2, s4  }
0x7: {  	s31 =	simm.s32 $0x30C0;
	[smem:$0x7FF] =	sst s3;
	s6 =	smul.u32 $0xD000, s5  }
0x8: {  	s2 =	ssub.s32 $0x2, s2;
	s4 =	sadd.s32 $0x27ACC00, s1;
	s7 =	smul.u32 $0x68000, s5  }
0x9: {  	_ =	strace $0x80000047;
	s24 =	sshrl.u32 s2, $0x1;
	s9 =	smul.u32 $0x680, s5  }
0xa: {  	s1 =	ssub.s32 s2, s24;
	s2 =	simm.s32 $0x0;
	s5 =	sadd.s32 s8, s6  }
0xb: {  	s25 =	sshrl.u32 s7, $0x3;
	s6 =	sadd.s32 s0, s9;
	s22 =	smax.u32 s1, $0x1  }
0xc: {  	s7 =	sadd.s32 $0xD00, s5;
	s26 =	sadd.s32 s8, s25;
	s25 =	simm.s32 $0x340  }
0xd: {  	s8 =	sadd.s32 $0x1A00, s26;
	s9 =	sadd.s32 $0x2700, s26;
	s10 =	sadd.s32 $0x3400, s26  }
0xe: {  	s11 =	sadd.s32 $0x4100, s26;
	s12 =	sadd.s32 $0x4E00, s26;
	s13 =	sadd.s32 $0x5B00, s26  }
0xf: {  	s14 =	sadd.s32 $0x6800, s26;
	s15 =	sadd.s32 $0x7500, s26;
	s16 =	sadd.s32 $0x8200, s26  }
0x10: {  	s17 =	sadd.s32 $0x8F00, s26;
	s18 =	sadd.s32 $0x9C00, s26;
	s19 =	sadd.s32 $0xA900, s26  }
0x11: {  	s20 =	sadd.s32 $0xB600, s26;
	s21 =	sadd.s32 $0xC300, s26;
	s26 =	simm.s32 $0x34D0  }
.LBB2_1:
0x12: {  	[tilespmem:s3], [sflag:$0x2] =	stream.linear.gather [hbm4b:s6+s3], $0x3400, $0x38;
	[tilespmem:$0x104D0] =	vst v63  }
0x13: {  	_ =	swait.ge [sflag:s23], $0x3400  }
0x14: {  	[sflag:s23] =	ssyncset.done $0x0  }
0x15: {  	[sflag:s23] =	ssyncadd.s32 $0xFFFFCC00  }
0x16: {  	s1 =	simm.s32 $0x3400;
	s0 =	rddreg [dreg:$0x1]  }
0x17: {  	[tilespmem:s1], [sflag:$0x2] =	stream.linear.gather [hbm4b:s0+s3], $0xD0, $0x38;
	[tilespmem:$0x104D0] =	vst v63  }
0x18: {  	_ =	swait.ge [sflag:s23], $0xD0  }
0x19: {  	[sflag:s23] =	ssyncset.done $0x0  }
0x1a: {  	[sflag:s23] =	ssyncadd.s32 $0xFFFFFF30  }
0x1b: {  	v2 =	vld [tilespmem:$0x3400]  }
0x1c: {  	v4 =	vld [tilespmem:$0x3410]  }
0x1d: {  	v6 =	vld [tilespmem:$0x3420]  }
0x1e: {  	v8 =	vld [tilespmem:$0x3430]  }
0x1f: {  	v9 =	vld [tilespmem:$0x3440]  }
0x20: {  	v11 =	vld [tilespmem:$0x3450]  }
0x21: {  	v12 =	vld [tilespmem:$0x3460]  }
0x22: {  	v10 =	vld [tilespmem:$0x3470]  }
0x23: {  	v7 =	vld [tilespmem:$0x3480]  }
0x24: {  	v5 =	vld [tilespmem:$0x3490]  }
0x25: {  	v3 =	vld [tilespmem:$0x34A0]  }
0x26: {  	v1 =	vld [tilespmem:$0x34B0]  }
0x27: {  	s0 =	simm.s32 $0x0;
	v0 =	vld [tilespmem:$0x34C0]  }
0x28: {  	v13 =	vld [tilespmem:s0+$0x0]  }
0x29: {  	v14 =	vld [tilespmem:s0+$0x10]  }
0x2a: {  	v15 =	vld [tilespmem:s0+$0x20]  }
0x2b: {  	v16 =	vld [tilespmem:s0+$0x30]  }
0x2c: {  	v17 =	vld [tilespmem:s0+$0x40]  }
0x2d: {  	v18 =	vld [tilespmem:s0+$0x50];
	v13 =	vadd.s32 v2, v13  }
0x2e: {  	v19 =	vld [tilespmem:s0+$0x60];
	[tilespmem:s0+$0x0] =	vst v13;
	v13 =	vadd.s32 v4, v14  }
0x2f: {  	v14 =	vld [tilespmem:s0+$0x70];
	[tilespmem:s0+$0x10] =	vst v13;
	v13 =	vadd.s32 v6, v15  }
0x30: {  	v15 =	vadd.s32 v8, v16;
	[tilespmem:s0+$0x20] =	vst v13;
	v13 =	vld [tilespmem:s0+$0x80]  }
0x31: {  	v16 =	vadd.s32 v9, v17;
	[tilespmem:s0+$0x30] =	vst v15;
	v15 =	vld [tilespmem:s0+$0x90]  }
0x32: {  	v17 =	vadd.s32 v11, v18;
	[tilespmem:s0+$0x40] =	vst v16;
	v16 =	vld [tilespmem:s0+$0xA0]  }
0x33: {  	s1 =	simm.s32 $0x340;
	v18 =	vadd.s32 v12, v19;
	[tilespmem:s0+$0x50] =	vst v17;
	v17 =	vld [tilespmem:s0+$0xB0]  }
.LBB2_2:
0x34: {  	s24 =	sshra.s32 s1, $0x2;
	p0 =	sne.s32 s1, $0xCCC0;
	[tilespmem:s0+$0x60] =	vst v18;
	v14 =	vadd.s32 v10, v14;
	v18 =	vld [tilespmem:s0+$0xC0]  }
0x35: {  	v19 =	vld [tilespmem:s24+$0x0];
	[tilespmem:s0+$0x70] =	vst v14;
	v13 =	vadd.s32 v7, v13  }
0x36: {  	v14 =	vld [tilespmem:s24+$0x10];
	[tilespmem:s0+$0x80] =	vst v13;
	v13 =	vadd.s32 v5, v15  }
0x37: {  	v15 =	vld [tilespmem:s24+$0x20];
	[tilespmem:s0+$0x90] =	vst v13;
	v13 =	vadd.s32 v3, v16  }
0x38: {  	v16 =	vld [tilespmem:s24+$0x30];
	[tilespmem:s0+$0xA0] =	vst v13;
	v13 =	vadd.s32 v1, v17  }
0x39: {  	v17 =	vld [tilespmem:s24+$0x40];
	[tilespmem:s0+$0xB0] =	vst v13;
	v13 =	vadd.s32 v0, v18  }
0x3a: {  	v18 =	vadd.s32 v2, v19;
	v19 =	vld [tilespmem:s24+$0x50];
	[tilespmem:s0+$0xC0] =	vst v13;
	s0 =	smov.u32 s24  }
0x3b: {  	[tilespmem:s0+$0x0] =	vst v18;
	v13 =	vadd.s32 v4, v14;
	v18 =	vld [tilespmem:s0+$0x60]  }
.Ltmp0:
0x3c: {  	[tilespmem:s0+$0x10] =	vst v13;
	v13 =	vadd.s32 v6, v15;
	v14 =	vld [tilespmem:s0+$0x70];
	(pc) =	sbr.rel @p0 .LBB2_2-.Ltmp0, $4  }
0x3d: {  	[tilespmem:s0+$0x20] =	vst v13;
	v15 =	vadd.s32 v8, v16;
	v13 =	vld [tilespmem:s0+$0x80]  }
0x3e: {  	[tilespmem:s0+$0x30] =	vst v15;
	v16 =	vadd.s32 v9, v17;
	v15 =	vld [tilespmem:s0+$0x90]  }
0x3f: {  	[tilespmem:s0+$0x40] =	vst v16;
	v17 =	vadd.s32 v11, v19;
	v16 =	vld [tilespmem:s0+$0xA0]  }
0x40: {  	s1 =	sadd.s32 $0x340, s1;
	[tilespmem:s0+$0x50] =	vst v17;
	v18 =	vadd.s32 v12, v18;
	v17 =	vld [tilespmem:s0+$0xB0]  }
0x41: {  	[tilespmem:s0+$0x60] =	vst v18;
	v2 =	vadd.s32 v10, v14;
	v4 =	vld [tilespmem:s0+$0xC0]  }
0x42: {  	[tilespmem:s0+$0x70] =	vst v2;
	v61 =	vadd.s32 v7, v13  }
0x43: {  	[tilespmem:s0+$0x80] =	vst v61;
	v62 =	vadd.s32 v5, v15  }
0x44: {  	[tilespmem:s0+$0x90] =	vst v62;
	v63 =	vadd.s32 v3, v16  }
0x45: {  	[tilespmem:s0+$0xA0] =	vst v63;
	v1 =	vadd.s32 v1, v17  }
0x46: {  	[tilespmem:s0+$0xB0] =	vst v1;
	v0 =	vadd.s32 v0, v4  }
0x47: {  	[tilespmem:s0+$0xC0] =	vst v0  }
0x48: {  	[tilespmem:s26], [sflag:$0x1] =	stream.indirect.gather [hbm4b:s4+s25], $0x20, s3, s25, $0xb8;
	[tilespmem:$0x104D0] =	vst v63  }
0x49: {  	_ =	swait.ge [sflag:s28], $0x6800  }
0x4a: {  	[sflag:s28] =	ssyncset.done $0x0  }
0x4b: {  	[sflag:s28] =	ssyncadd.s32 $0xFFFF9800  }
0x4c: {  	[hbm4b:s5+s3] =	stream.linear.scatter [tilespmem:s26], [sflag:$0x2], $0x6800, $0x38;
	[tilespmem:$0x104D0] =	vst v63  }
0x4d: {  	_ =	swait.ge [sflag:s23], $0x6800  }
0x4e: {  	[sflag:s23] =	ssyncset.done $0x0  }
0x4f: {  	[sflag:s23] =	ssyncadd.s32 $0xFFFF9800  }
0x50: {  	[tilespmem:s29], [sflag:$0x1] =	stream.indirect.gather [hbm4b:s4+s25], $0x20, s25, s25, $0xb8;
	[tilespmem:$0x104D0] =	vst v63  }
0x51: {  	_ =	swait.ge [sflag:s28], $0x6800  }
0x52: {  	[sflag:s28] =	ssyncset.done $0x0  }
0x53: {  	[sflag:s28] =	ssyncadd.s32 $0xFFFF9800  }
0x54: {  	[hbm4b:s7+s3] =	stream.linear.scatter [tilespmem:s29], [sflag:$0x2], $0x6800, $0x38;
	[tilespmem:$0x104D0] =	vst v63  }
0x55: {  	_ =	swait.ge [sflag:s23], $0x6800  }
0x56: {  	[sflag:s23] =	ssyncset.done $0x0  }
0x57: {  	s1 =	simm.s32 $0x680;
	[sflag:s23] =	ssyncadd.s32 $0xFFFF9800  }
0x58: {  	[tilespmem:s26], [sflag:$0x1] =	stream.indirect.gather [hbm4b:s4+s25], $0x20, s1, s25, $0xb8;
	[tilespmem:$0x104D0] =	vst v63  }
0x59: {  	_ =	swait.ge [sflag:s28], $0x6800  }
0x5a: {  	[sflag:s28] =	ssyncset.done $0x0  }
0x5b: {  	[sflag:s28] =	ssyncadd.s32 $0xFFFF9800  }
0x5c: {  	[hbm4b:s8+s3] =	stream.linear.scatter [tilespmem:s26], [sflag:$0x2], $0x6800, $0x38;
	[tilespmem:$0x104D0] =	vst v63  }
0x5d: {  	_ =	swait.ge [sflag:s23], $0x6800  }
0x5e: {  	[sflag:s23] =	ssyncset.done $0x0  }
0x5f: {  	s24 =	simm.s32 $0x9C0;
	[sflag:s23] =	ssyncadd.s32 $0xFFFF9800  }
0x60: {  	[tilespmem:s29], [sflag:$0x1] =	stream.indirect.gather [hbm4b:s4+s25], $0x20, s24, s25, $0xb8;
	[tilespmem:$0x104D0] =	vst v63  }
0x61: {  	_ =	swait.ge [sflag:s28], $0x6800  }
0x62: {  	[sflag:s28] =	ssyncset.done $0x0  }
0x63: {  	[sflag:s28] =	ssyncadd.s32 $0xFFFF9800  }
0x64: {  	[hbm4b:s9+s3] =	stream.linear.scatter [tilespmem:s29], [sflag:$0x2], $0x6800, $0x38;
	[tilespmem:$0x104D0] =	vst v63  }
0x65: {  	_ =	swait.ge [sflag:s23], $0x6800  }
0x66: {  	[sflag:s23] =	ssyncset.done $0x0  }
0x67: {  	s1 =	simm.s32 $0xD00;
	[sflag:s23] =	ssyncadd.s32 $0xFFFF9800  }
0x68: {  	[tilespmem:s26], [sflag:$0x1] =	stream.indirect.gather [hbm4b:s4+s25], $0x20, s1, s25, $0xb8;
	[tilespmem:$0x104D0] =	vst v63  }
0x69: {  	_ =	swait.ge [sflag:s28], $0x6800  }
0x6a: {  	[sflag:s28] =	ssyncset.done $0x0  }
0x6b: {  	[sflag:s28] =	ssyncadd.s32 $0xFFFF9800  }
0x6c: {  	[hbm4b:s10+s3] =	stream.linear.scatter [tilespmem:s26], [sflag:$0x2], $0x6800, $0x38;
	[tilespmem:$0x104D0] =	vst v63  }
0x6d: {  	_ =	swait.ge [sflag:s23], $0x6800  }
0x6e: {  	[sflag:s23] =	ssyncset.done $0x0  }
0x6f: {  	s24 =	simm.s32 $0x1040;
	[sflag:s23] =	ssyncadd.s32 $0xFFFF9800  }
0x70: {  	[tilespmem:s29], [sflag:$0x1] =	stream.indirect.gather [hbm4b:s4+s25], $0x20, s24, s25, $0xb8;
	[tilespmem:$0x104D0] =	vst v63  }
0x71: {  	_ =	swait.ge [sflag:s28], $0x6800  }
0x72: {  	[sflag:s28] =	ssyncset.done $0x0  }
0x73: {  	[sflag:s28] =	ssyncadd.s32 $0xFFFF9800  }
0x74: {  	[hbm4b:s11+s3] =	stream.linear.scatter [tilespmem:s29], [sflag:$0x2], $0x6800, $0x38;
	[tilespmem:$0x104D0] =	vst v63  }
0x75: {  	_ =	swait.ge [sflag:s23], $0x6800  }
0x76: {  	[sflag:s23] =	ssyncset.done $0x0  }
0x77: {  	s1 =	simm.s32 $0x1380;
	[sflag:s23] =	ssyncadd.s32 $0xFFFF9800  }
0x78: {  	[tilespmem:s26], [sflag:$0x1] =	stream.indirect.gather [hbm4b:s4+s25], $0x20, s1, s25, $0xb8;
	[tilespmem:$0x104D0] =	vst v63  }
0x79: {  	_ =	swait.ge [sflag:s28], $0x6800  }
0x7a: {  	[sflag:s28] =	ssyncset.done $0x0  }
0x7b: {  	[sflag:s28] =	ssyncadd.s32 $0xFFFF9800  }
0x7c: {  	[hbm4b:s12+s3] =	stream.linear.scatter [tilespmem:s26], [sflag:$0x2], $0x6800, $0x38;
	[tilespmem:$0x104D0] =	vst v63  }
0x7d: {  	_ =	swait.ge [sflag:s23], $0x6800  }
0x7e: {  	[sflag:s23] =	ssyncset.done $0x0  }
0x7f: {  	s24 =	simm.s32 $0x16C0;
	[sflag:s23] =	ssyncadd.s32 $0xFFFF9800  }
0x80: {  	[tilespmem:s29], [sflag:$0x1] =	stream.indirect.gather [hbm4b:s4+s25], $0x20, s24, s25, $0xb8;
	[tilespmem:$0x104D0] =	vst v63  }
0x81: {  	_ =	swait.ge [sflag:s28], $0x6800  }
0x82: {  	[sflag:s28] =	ssyncset.done $0x0  }
0x83: {  	[sflag:s28] =	ssyncadd.s32 $0xFFFF9800  }
0x84: {  	[hbm4b:s13+s3] =	stream.linear.scatter [tilespmem:s29], [sflag:$0x2], $0x6800, $0x38;
	[tilespmem:$0x104D0] =	vst v63  }
0x85: {  	_ =	swait.ge [sflag:s23], $0x6800  }
0x86: {  	[sflag:s23] =	ssyncset.done $0x0  }
0x87: {  	s1 =	simm.s32 $0x1A00;
	[sflag:s23] =	ssyncadd.s32 $0xFFFF9800  }
0x88: {  	[tilespmem:s26], [sflag:$0x1] =	stream.indirect.gather [hbm4b:s4+s25], $0x20, s1, s25, $0xb8;
	[tilespmem:$0x104D0] =	vst v63  }
0x89: {  	_ =	swait.ge [sflag:s28], $0x6800  }
0x8a: {  	[sflag:s28] =	ssyncset.done $0x0  }
0x8b: {  	[sflag:s28] =	ssyncadd.s32 $0xFFFF9800  }
0x8c: {  	[hbm4b:s14+s3] =	stream.linear.scatter [tilespmem:s26], [sflag:$0x2], $0x6800, $0x38;
	[tilespmem:$0x104D0] =	vst v63  }
0x8d: {  	_ =	swait.ge [sflag:s23], $0x6800  }
0x8e: {  	[sflag:s23] =	ssyncset.done $0x0  }
0x8f: {  	s24 =	simm.s32 $0x1D40;
	[sflag:s23] =	ssyncadd.s32 $0xFFFF9800  }
0x90: {  	[tilespmem:s29], [sflag:$0x1] =	stream.indirect.gather [hbm4b:s4+s25], $0x20, s24, s25, $0xb8;
	[tilespmem:$0x104D0] =	vst v63  }
0x91: {  	_ =	swait.ge [sflag:s28], $0x6800  }
0x92: {  	[sflag:s28] =	ssyncset.done $0x0  }
0x93: {  	[sflag:s28] =	ssyncadd.s32 $0xFFFF9800  }
0x94: {  	[hbm4b:s15+s3] =	stream.linear.scatter [tilespmem:s29], [sflag:$0x2], $0x6800, $0x38;
	[tilespmem:$0x104D0] =	vst v63  }
0x95: {  	_ =	swait.ge [sflag:s23], $0x6800  }
0x96: {  	[sflag:s23] =	ssyncset.done $0x0  }
0x97: {  	s1 =	simm.s32 $0x2080;
	[sflag:s23] =	ssyncadd.s32 $0xFFFF9800  }
0x98: {  	[tilespmem:s26], [sflag:$0x1] =	stream.indirect.gather [hbm4b:s4+s25], $0x20, s1, s25, $0xb8;
	[tilespmem:$0x104D0] =	vst v63  }
0x99: {  	_ =	swait.ge [sflag:s28], $0x6800  }
0x9a: {  	[sflag:s28] =	ssyncset.done $0x0  }
0x9b: {  	[sflag:s28] =	ssyncadd.s32 $0xFFFF9800  }
0x9c: {  	[hbm4b:s16+s3] =	stream.linear.scatter [tilespmem:s26], [sflag:$0x2], $0x6800, $0x38;
	[tilespmem:$0x104D0] =	vst v63  }
0x9d: {  	_ =	swait.ge [sflag:s23], $0x6800  }
0x9e: {  	[sflag:s23] =	ssyncset.done $0x0  }
0x9f: {  	s24 =	simm.s32 $0x23C0;
	[sflag:s23] =	ssyncadd.s32 $0xFFFF9800  }
0xa0: {  	[tilespmem:s29], [sflag:$0x1] =	stream.indirect.gather [hbm4b:s4+s25], $0x20, s24, s25, $0xb8;
	[tilespmem:$0x104D0] =	vst v63  }
0xa1: {  	_ =	swait.ge [sflag:s28], $0x6800  }
0xa2: {  	[sflag:s28] =	ssyncset.done $0x0  }
0xa3: {  	[sflag:s28] =	ssyncadd.s32 $0xFFFF9800  }
0xa4: {  	[hbm4b:s17+s3] =	stream.linear.scatter [tilespmem:s29], [sflag:$0x2], $0x6800, $0x38;
	[tilespmem:$0x104D0] =	vst v63  }
0xa5: {  	_ =	swait.ge [sflag:s23], $0x6800  }
0xa6: {  	[sflag:s23] =	ssyncset.done $0x0  }
0xa7: {  	s1 =	simm.s32 $0x2700;
	[sflag:s23] =	ssyncadd.s32 $0xFFFF9800  }
0xa8: {  	[tilespmem:s26], [sflag:$0x1] =	stream.indirect.gather [hbm4b:s4+s25], $0x20, s1, s25, $0xb8;
	[tilespmem:$0x104D0] =	vst v63  }
0xa9: {  	_ =	swait.ge [sflag:s28], $0x6800  }
0xaa: {  	[sflag:s28] =	ssyncset.done $0x0  }
0xab: {  	[sflag:s28] =	ssyncadd.s32 $0xFFFF9800  }
0xac: {  	[hbm4b:s18+s3] =	stream.linear.scatter [tilespmem:s26], [sflag:$0x2], $0x6800, $0x38;
	[tilespmem:$0x104D0] =	vst v63  }
0xad: {  	_ =	swait.ge [sflag:s23], $0x6800  }
0xae: {  	[sflag:s23] =	ssyncset.done $0x0  }
0xaf: {  	s24 =	simm.s32 $0x2A40;
	[sflag:s23] =	ssyncadd.s32 $0xFFFF9800  }
0xb0: {  	[tilespmem:s29], [sflag:$0x1] =	stream.indirect.gather [hbm4b:s4+s25], $0x20, s24, s25, $0xb8;
	[tilespmem:$0x104D0] =	vst v63  }
0xb1: {  	_ =	swait.ge [sflag:s28], $0x6800  }
0xb2: {  	[sflag:s28] =	ssyncset.done $0x0  }
0xb3: {  	[sflag:s28] =	ssyncadd.s32 $0xFFFF9800  }
0xb4: {  	[hbm4b:s19+s3] =	stream.linear.scatter [tilespmem:s29], [sflag:$0x2], $0x6800, $0x38;
	[tilespmem:$0x104D0] =	vst v63  }
0xb5: {  	_ =	swait.ge [sflag:s23], $0x6800  }
0xb6: {  	[sflag:s23] =	ssyncset.done $0x0  }
0xb7: {  	[sflag:s23] =	ssyncadd.s32 $0xFFFF9800  }
0xb8: {  	[tilespmem:s26], [sflag:$0x1] =	stream.indirect.gather [hbm4b:s4+s25], $0x20, s30, s25, $0xb8;
	[tilespmem:$0x104D0] =	vst v63  }
0xb9: {  	_ =	swait.ge [sflag:s28], $0x6800  }
0xba: {  	[sflag:s28] =	ssyncset.done $0x0  }
0xbb: {  	[sflag:s28] =	ssyncadd.s32 $0xFFFF9800  }
0xbc: {  	[hbm4b:s20+s3] =	stream.linear.scatter [tilespmem:s26], [sflag:$0x2], $0x6800, $0x38;
	[tilespmem:$0x104D0] =	vst v63  }
0xbd: {  	_ =	swait.ge [sflag:s23], $0x6800  }
0xbe: {  	[sflag:s23] =	ssyncset.done $0x0  }
0xbf: {  	[sflag:s23] =	ssyncadd.s32 $0xFFFF9800  }
0xc0: {  	[tilespmem:s29], [sflag:$0x1] =	stream.indirect.gather [hbm4b:s4+s25], $0x20, s31, s25, $0xb8;
	[tilespmem:$0x104D0] =	vst v63  }
0xc1: {  	s2 =	sadd.s32 $0x1, s2;
	_ =	swait.ge [sflag:s28], $0x6800  }
0xc2: {  	p0 =	sne.s32 s2, s22;
	[sflag:s28] =	ssyncset.done $0x0  }
.Ltmp1:
0xc3: {  	[sflag:s28] =	ssyncadd.s32 $0xFFFF9800;
	(pc) =	sbr.rel @p0 .LBB2_1-.Ltmp1, $4  }
0xc4: {  	[hbm4b:s21+s3] =	stream.linear.scatter [tilespmem:s29], [sflag:$0x2], $0x6800, $0x38;
	[tilespmem:$0x104D0] =	vst v63  }
0xc5: {  	_ =	swait.ge [sflag:s23], $0x6800  }
0xc6: {  	[sflag:s23] =	ssyncset.done $0x0  }
0xc7: {  	[sflag:s23] =	ssyncadd.s32 $0xFFFF9800  }
0xc8: {  	_ =	sfence.sel $0x180000  }
0xc9: {  	[bflag:$0x0] =	sbarrier.arrive $0xFFFF  }
0xca: {  	_ =	strace $0x90000047  }
0xcb: {  	s0 =	stileid.u32;
	[bflag:$0x2] =	sbarrier.arrive $0xFFFF  }
0xcc: {  	p0 =	sne.s32 s0, $0x0;
	s0 =	rddreg [dreg:$0x4]  }
0xcd: {  	s0 =	sadd.s32 @!p0 $0x100000, s0  }
0xce: {  	[sflag:s0] =	ssyncadd.tile.s32 @!p0 $0x1;
	_ =	shalt  }
.Lfunc_end2:
_tile_overlayer_lowered:
.L_overlay_start_2:
0xcf: {  	(tag) =	ssettag $0x2  }
0xd0: {  	s0 =	rddreg [dreg:$0x0];
	s2 =	stileid.u32  }
0xd1: {  	s1 =	rddreg [dreg:$0x1];
	p0 =	sne.s32 s2, $0x0  }
0xd2: {  	s3 =	rddreg [dreg:$0x2];
	[bflag:$0x3] =	sbarrier.arrive $0xFFFF;
	s2 =	simm.s32 @!p0 $0x1C02  }
0xd3: {  	[timem:s3], [sflag:s2] =	dma.local @!p0 [hbm:s0], s1  }
0xd4: {  	s0 =	simm.s32 @!p0 $0x2  }
0xd5: {  	_ =	swait.ge @!p0 [sflag:s0], s1  }
0xd6: {  	s1 =	ssub.s32 @!p0 $0x0, s1;
	[sflag:s0] =	ssyncset.done @!p0 $0x0  }
0xd7: {  	[sflag:s0] =	ssyncadd.s32 @!p0 s1  }
0xd8: {  	[bflag:$0x3] =	sbarrier.arrive $0xFFFF  }
0xd9: {  	_ =	shalt  }

// kernel: sparse-core-data-format-call.cloned.1.call-start
scs
called_computation_lowered:
.L_overlay_start_0:
0x0: {  	s2 =	sld [smem:$0x3FD9]  }
0x1: {  	s3 =	sld [smem:$0x3FFE];
	_ =	sdelay $0x1  }
0x2: {  	s1 =	srdreg.scid  }
0x3: {  	s0 =	sand.u32 $0x1, s1  }
0x4: {  	s18 =	sshll.u32 s0, $0xA;
	s2 =	sadd.s32 s3, s2  }
0x5: {  	s2 =	sadd.s32 s2, s18  }
0x6: {  	[smem:$0x3FC5] =	sst s2  }
0x7: {  	_ = 	snop  }
0x8: {  	s2 =	sld [smem:$0x3FD0];
	(tm) =	ssettm $0x1  }
0x9: {  	s19 =	sld [smem:$0x3FFB];
	_ =	sdelay $0x3  }
0xa: {  	_ =	strace s19  }
0xb: {  	s3 =	sld [smem:$0x3FFC];
	_ =	sdelay $0x3  }
0xc: {  	_ =	strace s3  }
0xd: {  	s3 =	sld [smem:$0x3FFD];
	_ =	sdelay $0x3  }
0xe: {  	_ =	strace s3  }
0xf: {  	_ =	strace $0x8FFFFFFF  }
0x10: {  	s20 =	sld [smem:$0x3FDB];
	_ =	sdelay $0x1  }
0x11: {  	s4 =	simm.s32 $_scs_section_size  }
0x12: {  	s5 =	simm.s32 $_size__tile_overlayer_lowered;
	s6 =	simm.s32 $_tile_overlayer_lowered  }
0x13: {  	s23 =	simm.s32 $0x1BFF;
	s22 =	sshll.u32 s6, $0x1;
	s3 =	sadd.s32 s4, s20  }
0x14: {  	s7 =	simm.s32 $0x0;
	s21 =	sshll.u32 s5, $0x1;
	s5 =	sadd.s32 s22, s3  }
0x15: {  	[timem:s7], [sflag:s23] =	dma.local [hbm:s5], s21  }
0x16: {  	_ =	swait.ge [sflag:s23], s21  }
0x17: {  	s4 =	ssub.s32 $0x0, s21;
	[sflag:s23] =	ssyncset.done $0x0  }
0x18: {  	[sflag:s23] =	ssyncadd.s32 s4;
	_ =	sdelay $0x1  }
0x19: {  	s24 =	simm.s32 $0x1B8B  }
0x1a: {  	_ =	swait.ge [sflag:s24], $0x1  }
0x1b: {  	[sflag:s24] =	ssyncset.done $0x0  }
0x1c: {  	s26 =	simm.s32 $0x1B8E;
	s25 =	sld [smem:$0x3FFE];
	[sflag:s24] =	ssyncadd.s32 $0xFFFFFFFF  }
0x1d: {  	s27 =	simm.s32 $execute0_lowered;
	[smem:$0x3FD2] =	sst s26  }
0x1e: {  	s5 =	sshll.u32 s27, $0x1;
	_ =	strace $0x80000049;
	[dreg:$0x1] =	wrdreg $0xFFFFFFFF  }
0x1f: {  	s28 =	simm.s32 $_size_execute0_lowered;
	s3 =	sadd.s32 s3, s5;
	[dreg:$0x0] =	wrdreg $0x0  }
0x20: {  	s5 =	sshll.u32 s28, $0x1;
	[dreg:$0x2] =	wrdreg s3  }
0x21: {  	[dreg:$0x3] =	wrdreg s5  }
0x22: {  	[dreg:$0x4] =	wrdreg $0xC0  }
0x23: {  	_ =	task [dreg:s7], $0x5FFFF  }
0x24: {  	[dreg:$0x1] =	wrdreg $0xFFFFFFFF  }
0x25: {  	[dreg:$0x0] =	wrdreg $0x60  }
0x26: {  	[dreg:$0x2] =	wrdreg s25  }
0x27: {  	[dreg:$0x3] =	wrdreg s2  }
0x28: {  	[dreg:$0x4] =	wrdreg $0x9  }
0x29: {  	_ =	task.clear_ibuf [dreg:s7], $0x5FFFF;
	_ =	strace $0x90000049  }
0x2a: {  	s29 =	simm.s32 $0x9;
	_ =	strace $0x8000004B  }
0x2b: {  	_ =	swait.ge [sflag:s29], $0x1  }
0x2c: {  	[sflag:s29] =	ssyncadd.s32 $0xFFFFFFFF  }
0x2d: {  	_ =	strace $0x9000004B  }
0x2e: {  	_ =	sfence  }
0x2f: {  	s30 =	sld [smem:$0x0];
	_ =	sdelay $0x2  }
0x30: {  	s31 =	sshll.u32 s1, $0xD;
	s1 =	sshrl.u32 s1, $0x2  }
0x31: {  	s3 =	sand.u32 $0x4000, s31;
	s1 =	sadd.s32 s1, s30  }
0x32: {  	s0 =	sor.u32 s3, s0;
	s1 =	sshll.u32 s1, $0x11  }
0x33: {  	s0 =	sor.u32 s1, s0  }
0x34: {  	s0 =	sadd.s32 $0x8F2B, s0  }
0x35: {  	[sflag:s0] =	ssyncadd.remote.s32 $0x1  }
0x36: {  	_ =	sfence.sel $0xFFFF  }
0x37: {  	[dreg:$0x0] =	wrdreg $0xFFFFFFFF;
	(pc) =	sbr.abs _section_cstart, $3  }
0x38: {  	[dreg:$0x1] =	wrdreg $0xFFFFFFFF  }
0x39: {  	_ =	task.clear_ibuf [dreg:s7], $0x2FFFF;
	_ =	strace $0x9FFFFFFF  }
0x3a: {  	(tm) =	ssettm $0x7FFFFFFF  }
0x3b: {  	_ =	shalt  }
tec
execute0_lowered:
.L_overlay_start_1:
0x0: {  	(tag) =	ssettag $0x1  }
0x1: {  	s0 =	srdreg.scid  }
0x2: {  	s1 =	sshll.u32 s0, $0x4  }
0x3: {  	s4 =	rddreg [dreg:$0x0];
	s0 =	stileid.u32;
	s1 =	sand.u32 $0x10, s1  }
0x4: {  	s2 =	rddreg [dreg:$0x1];
	s7 =	simm.s32 $0x1;
	s1 =	sor.u32 s0, s1  }
0x5: {  	s8 =	simm.s32 $0x2;
	s11 =	simm.s32 $0x0;
	s3 =	sshll.u32 s1, $0x7  }
0x6: {  	s10 =	simm.s32 $0x0;
	s4 =	sadd.s32 $0x800, s4;
	s6 =	ssub.s32 $0x68000, s3  }
.Ltmp0:
0x7: {  	s1 =	rddreg [dreg:$0x2];
	s5 =	sand.u32 $0xF80, s6;
	(pc) =	sbr.rel .LBB1_1-.Ltmp0, $4  }
0x8: {  	_ =	strace $0x8000004A;
	s9 =	smov.u32 s3;
	p0 =	sne.s32 s5, $0x0  }
0x9: {  	s6 =	sshrl.u32 s6, $0xC;
	s5 =	simm.s32 $0x1;
	s7 =	simm.s32 @!p0 $0x0  }
0xa: {  	[sflag:s5] =	ssyncpa.u1 $0x0;
	p0 =	por $0x0, $0x0;
	s6 =	sadd.s32 s7, s6  }
0xb: {  	[sflag:s8] =	ssyncpa.u1 $0x0;
	s8 =	simm.s32 $0x340000;
	s7 =	sadd.s32 $0x1, s6  }
.LBB1_4:
0xc: {  	s14 =	sshll.u32 s11, $0x3  }
0xd: {  	s30 =	sand.u32 $0x7F, s11;
	s15 =	sand.u32 $0xFFFFFC00, s14  }
0xe: {  	s11 =	sor.u32 s30, s15  }
0xf: {  	s15 =	smulhi.u32 $0x4EC4EC4F, s11  }
0x10: {  	s14 =	smulhi.u32 $0x4EC4EC4F, s14  }
0x11: {  	s15 =	sshrl.u32 s15, $0x11  }
0x12: {  	s14 =	sshrl.u32 s14, $0x11;
	s15 =	smul.u32 $0x68000, s15  }
0x13: {  	s14 =	sand.u32 $0x1F, s14  }
0x14: {  	s14 =	smul.u32 $0xD000, s14;
	s11 =	ssub.s32 s11, s15  }
0x15: {  	s15 =	sand.u32 $0x7, s11  }
0x16: {  	s14 =	sadd.s32 s2, s14;
	s11 =	sshrl.u32 s11, $0x3;
	s15 =	sshll.u32 s15, $0x12  }
0x17: {  	[tilespmem:s13+$0x0 ss:$0x81] =	vst.msk $0xffff, v0;
	s11 =	sadd.s32 s11, s14;
	s31 =	sor.u32 $0x400, s15  }
0x18: {  	[hbm4b:s11+s31] =	stream.strided.scatter [tilespmem:s12], [sflag:$0x2], $0x1000, s8, s31, $0x20;
	[tilespmem:$0x4040] =	vst v63  }
.LBB1_5:
0x19: {  	s13 =	sadd.s32 $0x1000, s9  }
0x1a: {  	p2 =	sgt.s32 s13, $0x67FFF  }
0x1b: {  	s13 =	smov.u32 @p2 s3;
	p2 =	sne.s32 s10, s7  }
.Ltmp1:
0x1c: {  	p1 =	slt.u32 s10, $0x2;
	(pc) =	sbr.rel @!p2 .LBB1_6-.Ltmp1, $4  }
0x1d: {  	s12 =	simm.s32 @!p1 $0x2  }
0x1e: {  	s14 =	sadd.s32 $0x1, s10;
	_ =	swait.ge @!p1 [sflag:s12], $0x1000  }
0x1f: {  	s11 =	smov.u32 s9;
	p0 =	por !p0, !p0;
	[sflag:s12] =	ssyncset.done @!p1 $0x0  }
0x20: {  	s10 =	smov.u32 s14;
	s9 =	smov.u32 s13;
	[sflag:s12] =	ssyncadd.s32 @!p1 $0xFFFFF000  }
.LBB1_1:
0x21: {  	p1 =	sge.u32 s10, s6  }
0x22: {  	s12 =	sand.u32 @!p1 $0x1FFFFFF, s9  }
0x23: {  	s13 =	smulhi.u32 @!p1 $0x2762763, s12;
	_ =	sdelay $0x1  }
0x24: {  	s13 =	sshrl.u32 @!p1 s13, $0xC  }
0x25: {  	s13 =	smul.u32 @!p1 $0x68000, s13;
	_ =	sdelay $0x1  }
0x26: {  	s31 =	sadd.s32 $0xFFFFFFFF, s10;
	s14 =	sxor.u32 @!p1 $0xFFFFFFFF, s10;
	s12 =	ssub.s32 @!p1 s12, s13  }
0x27: {  	s15 =	simm.s32 @!p1 $0x80;
	s14 =	sshll.u32 @!p1 s14, $0xC;
	s12 =	sshll.u32 @!p1 s12, $0x4  }
0x28: {  	s13 =	sand.u32 @!p1 $0x1000, s14;
	s14 =	simm.s32 @!p1 $0x20;
	s12 =	sadd.s32 @!p1 s4, s12  }
0x29: {  	[tilespmem:s13], [sflag:$0x1] =	stream.strided.gather @!p1 [hbm4b:s12+s14], $0x1000, s15, s14, $0x38;
	[tilespmem:$0x4040] =	vst v63  }
0x2a: {  	p1 =	sge.u32 s31, s6  }
.Ltmp2:
0x2b: {  	_ = 	snop;
	(pc) =	sbr.rel @p1 .LBB1_5-.Ltmp2, $1  }
0x2c: {  	_ =	sdelay $0x3  }
0x2d: {  	s12 =	simm.s32 $0x1  }
0x2e: {  	_ =	swait.ge [sflag:s5], $0x1000;
	s12 =	simm.s32 @!p0 $0x0  }
0x2f: {  	[sflag:s5] =	ssyncset.done $0x0;
	s13 =	sshll.u32 s12, $0xC  }
0x30: {  	[sflag:s5] =	ssyncadd.s32 $0xFFFFF000;
	s16 =	sor.u32 $0x10, s13  }
0x31: {  	s12 =	smul.u32 $0x4080, s12;
	v1 =	vld [tilespmem:s16+$0x0]  }
0x32: {  	s30 =	sand.u32 $0x1, s10;
	v0 =	vld [tilespmem:s16+$0xFFFFFFF0]  }
0x33: {  	s13 =	smul.u32 $0x4080, s30;
	s12 =	sshrl.u32 s12, $0x2  }
0x34: {  	s14 =	sor.u32 $0x2000, s12  }
0x35: {  	s31 =	sshrl.u32 s13, $0x2;
	s13 =	sadd.s32 $0x0, s14  }
0x36: {  	s15 =	simm.s32 $0x4;
	s16 =	sadd.s32 $0x20, s16;
	s12 =	sor.u32 $0x2000, s31;
	[tilespmem:s13+$0x810 ss:$0x81] =	vst.msk $0xffff, v1  }
.LBB1_3:
0x37: {  	v1 =	vld [tilespmem:s16+$0x0];
	p1 =	sne.s32 s15, $0x1FC;
	[tilespmem:s13+$0x0 ss:$0x81] =	vst.msk $0xffff, v0;
	s13 =	smov.u32 s15;
	s15 =	sadd.s32 $0x4, s15  }
.Ltmp3:
0x38: {  	v0 =	vld [tilespmem:s16+$0xFFFFFFF0];
	(pc) =	sbr.rel @p1 .LBB1_3-.Ltmp3, $4  }
0x39: {  	_ = 	snop  }
0x3a: {  	s13 =	sshra.s32 s13, $0x2  }
0x3b: {  	s13 =	sadd.s32 s13, s14  }
0x3c: {  	s16 =	sadd.s32 $0x20, s16;
	[tilespmem:s13+$0x810 ss:$0x81] =	vst.msk $0xffff, v1  }
.Ltmp4:
0x3d: {  	_ = 	snop;
	(pc) =	sbr.rel .LBB1_4-.Ltmp4, $1  }
0x3e: {  	_ =	sdelay $0x3  }
.LBB1_6:
0x3f: {  	_ =	sfence.sel $0x180000  }
0x40: {  	s2 =	simm.s32 $0x1;
	[bflag:$0x0] =	sbarrier.arrive $0xFFFF  }
0x41: {  	s31 =	simm.s32 $0x2;
	[sflag:s2] =	ssyncpa.u1 $0x1  }
0x42: {  	[sflag:s31] =	ssyncpa.u1 $0x1  }
0x43: {  	p0 =	sne.s32 s0, $0x0;
	_ =	strace $0x9000004A  }
0x44: {  	s0 =	sadd.s32 @!p0 $0x100000, s1;
	[bflag:$0x2] =	sbarrier.arrive $0xFFFF  }
0x45: {  	[sflag:s0] =	ssyncadd.tile.s32 @!p0 $0x1;
	_ =	shalt  }
.Lfunc_end1:
_tile_overlayer_lowered:
.L_overlay_start_2:
0x46: {  	(tag) =	ssettag $0x2  }
0x47: {  	s0 =	rddreg [dreg:$0x0];
	s2 =	stileid.u32  }
0x48: {  	s1 =	rddreg [dreg:$0x1];
	p0 =	sne.s32 s2, $0x0  }
0x49: {  	s3 =	rddreg [dreg:$0x2];
	[bflag:$0x3] =	sbarrier.arrive $0xFFFF;
	s2 =	simm.s32 @!p0 $0x1C01  }
0x4a: {  	[timem:s3], [sflag:s2] =	dma.local @!p0 [hbm:s0], s1  }
0x4b: {  	s0 =	simm.s32 @!p0 $0x1  }
0x4c: {  	_ =	swait.ge @!p0 [sflag:s0], s1  }
0x4d: {  	s1 =	ssub.s32 @!p0 $0x0, s1;
	[sflag:s0] =	ssyncset.done @!p0 $0x0  }
0x4e: {  	[sflag:s0] =	ssyncadd.s32 @!p0 s1  }
0x4f: {  	[bflag:$0x3] =	sbarrier.arrive $0xFFFF  }
0x50: {  	_ =	shalt  }

</sc_bundles>
